<compile_context>
chip_gen: v7x
topology: tpu7x:2x2x1
jax: 0.10.2.dev20260603
libtpu: 0.0.44.dev20260713+nightly
codegen_flags: <defaults>
</compile_context>

<pallas_src>
import functools

import jax
import jax.numpy as jnp
from jax import lax
from jax.experimental import pallas as pl
from jax.experimental.pallas import tpu as pltpu
from jax.experimental.pallas import tpu_sc as plsc

B, F, V, D = 4, 100000, 50000, 128
TOTAL = B * F
NC, NS = 2, 16
NW = NC * NS
WPB = NW // B
PW = F // WPB
PWE = PW + 4
PWO = PW - 4
C = 128
NCH = PWO // C
TAILE = PWE - NCH * C
TAILO = PWO - NCH * C


def _sc_gather(fs_flat, x):
    mesh = plsc.VectorSubcoreMesh(core_axis_name="c", subcore_axis_name="s")

    @functools.partial(
        pl.kernel,
        mesh=mesh,
        out_type=jax.ShapeDtypeStruct((TOTAL, D), jnp.float32),
        scratch_types=[
            pltpu.VMEM((PWE,), jnp.int32),
            [pltpu.VMEM((C, D), jnp.float32) for _ in range(3)],
            [pltpu.SemaphoreType.DMA for _ in range(3)],
            [pltpu.SemaphoreType.DMA for _ in range(3)],
        ],
    )
    def k(fs_hbm, x_hbm, out_hbm, idx_v, rows, gsem, osem):
        wid = lax.axis_index("s") * NC + lax.axis_index("c")
        bid = wid // WPB
        j = wid % WPB
        par = j % 2
        start = pl.multiple_of(bid * F + j * PW + 4 * par, 8)
        even = par == 0

        pltpu.sync_copy(fs_hbm.at[pl.ds(start, PWO)], idx_v.at[pl.ds(0, PWO)])

        @pl.when(even)
        def _():
            pltpu.sync_copy(
                fs_hbm.at[pl.ds(start + PWO, 8)], idx_v.at[pl.ds(PWO, 8)]
            )

        def fire(c, s, n):
            pltpu.async_copy(
                x_hbm.at[bid].at[idx_v.at[pl.ds(c * C, n)]],
                rows[s].at[pl.ds(0, n)],
                gsem[s],
            )

        def drain_gather(s, n):
            pltpu.make_async_copy(
                x_hbm.at[0].at[pl.ds(0, n)],
                rows[s].at[pl.ds(0, n)],
                gsem[s],
            ).wait()

        def out_slice(c, n):
            return out_hbm.at[pl.ds(start + c * C, n)]

        def fire_out(c, s, n):
            pltpu.async_copy(rows[s].at[pl.ds(0, n)], out_slice(c, n), osem[s])

        def drain_out(c, s, n):
            pltpu.make_async_copy(
                rows[s].at[pl.ds(0, n)], out_slice(c, n), osem[s]
            ).wait()

        def step(c, s, s_prev, first, wait_slot):
            if wait_slot:
                drain_out(c - 3, s, C)
            fire(c, s, C)
            if not first:
                drain_gather(s_prev, C)
                fire_out(c - 1, s_prev, C)

        def body(t, carry):
            c0 = 3 * t

            @pl.when(t == 0)
            def _():
                step(0, 0, 2, True, False)
                step(1, 1, 0, False, False)
                step(2, 2, 1, False, False)

            @pl.when(t > 0)
            def _():
                step(c0, 0, 2, False, True)
                step(c0 + 1, 1, 0, False, True)
                step(c0 + 2, 2, 1, False, True)

            return carry

        lax.fori_loop(0, 32, body, 0)

        drain_out(93, 0, C)
        fire(96, 0, C)
        drain_gather(2, C)
        fire_out(95, 2, C)

        drain_out(94, 1, C)

        def tail(n):
            fire(NCH, 1, n)
            drain_gather(0, C)
            fire_out(96, 0, C)
            drain_gather(1, n)
            fire_out(NCH, 1, n)
            drain_out(95, 2, C)
            drain_out(96, 0, C)
            drain_out(NCH, 1, n)

        @pl.when(even)
        def _():
            tail(TAILE)

        @pl.when(jnp.logical_not(even))
        def _():
            tail(TAILO)

    return k(fs_flat, x)


def kernel(fs, x):
    fs_flat = fs.reshape(TOTAL).astype(jnp.int32)
    out = _sc_gather(fs_flat, x)
    return out.reshape(B, F, D)

# --- scband reference (transcript-rebuilt; emitter-appended) ---
"""Pipeline reference for scband-face-fetch-vertex-11441792876769 (READ-ONLY COPY).

The authoritative reference and input builder live on the scoring server;
editing this copy changes nothing except your own understanding.
"""

import jax, jax.numpy as jnp
import numpy as np


def setup_inputs(seed: int = 0) -> dict:
    key = jax.random.key(seed)
    k1, k2 = jax.random.split(key)
    fs = jax.random.randint(k1, (4, 100000), 0, 50000, dtype=jnp.int64)
    x = jax.random.normal(k2, (4, 50000, 128), dtype=jnp.float32)
    return {"fs": fs, "x": x}


def reference(fs, x):
    # fs: [B, F] int indices into vertex dim of x: [B, V, D]
    # torch: fs.unsqueeze(-1).repeat((1,1,D)) then gather(x, dim=1, index=fs)
    B, F = fs.shape
    D = x.shape[-1]
    idx = jnp.broadcast_to(fs[:, :, None], (B, F, D)).astype(jnp.int64)
    out = jnp.take_along_axis(x, idx, axis=1)
    return out

if __name__ == "__main__":
    import jax
    _d = setup_inputs()
    print(jax.jit(kernel)(*tuple(_d.values())))

</pallas_src>

<mosaic_0001>
#map = affine_map<(d0, d1) -> (0)>
#map1 = affine_map<(d0, d1) -> (0, 0, 0)>
#map2 = affine_map<(d0, d1) -> (0, 0)>
module attributes {stable_mosaic.version = 14 : i64} {
  func.func @k(%arg0: i32, %arg1: i32, %arg2: memref<400000xi32, #tpu.memory_space<hbm>>, %arg3: memref<4x50000x128xf32, #tpu.memory_space<hbm>>, %arg4: memref<400000x128xf32, #tpu.memory_space<hbm>>, %arg5: memref<12504xi32, #tpu.memory_space<vmem>>, %arg6: memref<128x128xf32, #tpu.memory_space<vmem>>, %arg7: memref<128x128xf32, #tpu.memory_space<vmem>>, %arg8: memref<128x128xf32, #tpu.memory_space<vmem>>, %arg9: memref<!tpu.dma_semaphore, #tpu.memory_space<semaphore_mem>>, %arg10: memref<!tpu.dma_semaphore, #tpu.memory_space<semaphore_mem>>, %arg11: memref<!tpu.dma_semaphore, #tpu.memory_space<semaphore_mem>>, %arg12: memref<!tpu.dma_semaphore, #tpu.memory_space<semaphore_mem>>, %arg13: memref<!tpu.dma_semaphore, #tpu.memory_space<semaphore_mem>>, %arg14: memref<!tpu.dma_semaphore, #tpu.memory_space<semaphore_mem>>) attributes {dimension_semantics = [#tpu.dimension_semantics<core_parallel>, #tpu.dimension_semantics<subcore_parallel>], iteration_bounds = array<i64: 2, 16>, scalar_prefetch = 0 : i64, scratch_operands = 10 : i64, tpu.core_type = #tpu.core_type<sc_vector_subcore>, window_params = [{transform_indices = #map}, {transform_indices = #map1}, {transform_indices = #map2}]} {
    %mul3A = arith.constant 2 : i32
    %mul3A_0 = arith.muli %arg1, %mul3A : i32
    %add3A = arith.addi %mul3A_0, %arg0 : i32
    %jit3A = arith.constant 8 : i32
    %div3A = arith.divsi %add3A, %jit3A : i32
    %sign3A = arith.constant 0 : i32
    %sign3A_1 = arith.cmpi sgt, %add3A, %sign3A : i32
    %sign3A_2 = arith.extui %sign3A_1 : i1 to i32
    %sign3A_3 = arith.constant 0 : i32
    %sign3A_4 = arith.cmpi slt, %add3A, %sign3A_3 : i32
    %sign3A_5 = arith.extui %sign3A_4 : i1 to i32
    %sign3A_6 = arith.subi %sign3A_2, %sign3A_5 : i32
    %sign3A_7 = arith.constant 0 : i32
    %sign3A_8 = arith.cmpi sgt, %jit3A, %sign3A_7 : i32
    %sign3A_9 = arith.extui %sign3A_8 : i1 to i32
    %sign3A_10 = arith.constant 0 : i32
    %sign3A_11 = arith.cmpi slt, %jit3A, %sign3A_10 : i32
    %sign3A_12 = arith.extui %sign3A_11 : i1 to i32
    %sign3A_13 = arith.subi %sign3A_9, %sign3A_12 : i32
    %ne3A = arith.cmpi ne, %sign3A_6, %sign3A_13 : i32
    %rem3A = arith.remsi %add3A, %jit3A : i32
    %ne3A_14 = arith.constant 0 : i32
    %ne3A_15 = arith.cmpi ne, %rem3A, %ne3A_14 : i32
    %and3A = arith.andi %ne3A, %ne3A_15 : i1
    %sub3A = arith.constant 1 : i32
    %sub3A_16 = arith.subi %div3A, %sub3A : i32
    %select_n3A = arith.select %and3A, %sub3A_16, %div3A : i32
    %jit3A_17 = arith.constant 8 : i32
    %eq3A = arith.constant 0 : i32
    %eq3A_18 = arith.cmpi eq, %jit3A_17, %eq3A : i32
    %jit3A_19 = arith.constant 1 : i32
    %select_n3A_20 = arith.select %eq3A_18, %jit3A_19, %jit3A_17 : i32
    %rem3A_21 = arith.remsi %add3A, %select_n3A_20 : i32
    %ne3A_22 = arith.constant 0 : i32
    %ne3A_23 = arith.cmpi ne, %rem3A_21, %ne3A_22 : i32
    %lt3A = arith.constant 0 : i32
    %lt3A_24 = arith.cmpi slt, %rem3A_21, %lt3A : i32
    %lt3A_25 = arith.constant 0 : i32
    %lt3A_26 = arith.cmpi slt, %select_n3A_20, %lt3A_25 : i32
    %ne3A_27 = arith.xori %lt3A_24, %lt3A_26 : i1
    %and3A_28 = arith.andi %ne3A_27, %ne3A_23 : i1
    %add3A_29 = arith.addi %rem3A_21, %select_n3A_20 : i32
    %select_n3A_30 = arith.select %and3A_28, %add3A_29, %rem3A_21 : i32
    %jit3A_31 = arith.constant 2 : i32
    %eq3A_32 = arith.constant 0 : i32
    %eq3A_33 = arith.cmpi eq, %jit3A_31, %eq3A_32 : i32
    %jit3A_34 = arith.constant 1 : i32
    %select_n3A_35 = arith.select %eq3A_33, %jit3A_34, %jit3A_31 : i32
    %rem3A_36 = arith.remsi %select_n3A_30, %select_n3A_35 : i32
    %ne3A_37 = arith.constant 0 : i32
    %ne3A_38 = arith.cmpi ne, %rem3A_36, %ne3A_37 : i32
    %lt3A_39 = arith.constant 0 : i32
    %lt3A_40 = arith.cmpi slt, %rem3A_36, %lt3A_39 : i32
    %lt3A_41 = arith.constant 0 : i32
    %lt3A_42 = arith.cmpi slt, %select_n3A_35, %lt3A_41 : i32
    %ne3A_43 = arith.xori %lt3A_40, %lt3A_42 : i1
    %and3A_44 = arith.andi %ne3A_43, %ne3A_38 : i1
    %add3A_45 = arith.addi %rem3A_36, %select_n3A_35 : i32
    %select_n3A_46 = arith.select %and3A_44, %add3A_45, %rem3A_36 : i32
    %mul3A_47 = arith.constant 100000 : i32
    %mul3A_48 = arith.muli %select_n3A, %mul3A_47 : i32
    %mul3A_49 = arith.constant 12500 : i32
    %mul3A_50 = arith.muli %select_n3A_30, %mul3A_49 : i32
    %add3A_51 = arith.addi %mul3A_48, %mul3A_50 : i32
    %mul3A_52 = arith.constant 4 : i32
    %mul3A_53 = arith.muli %mul3A_52, %select_n3A_46 : i32
    %add3A_54 = arith.addi %add3A_51, %mul3A_53 : i32
    %multiple_of3A = tpu.assume_multiple %add3A_54, 8 : i32
    %eq3A_55 = arith.constant 0 : i32
    %eq3A_56 = arith.cmpi eq, %select_n3A_46, %eq3A_55 : i32
    "tpu.region"() ({
      %run_scoped3A = tpu.sem_alloc : memref<!tpu.dma_semaphore, #tpu.memory_space<semaphore_mem>>
      %dma_start3A_137 = arith.constant 0 : i32
      %dma_start3A_138 = tpu.memref_slice %arg5[%dma_start3A_137] : memref<12504xi32, #tpu.memory_space<vmem>> -> memref<12496xi32, #tpu.memory_space<vmem>>
      %dma_start3A_139 = tpu.memref_slice %arg2[%multiple_of3A] : memref<400000xi32, #tpu.memory_space<hbm>> -> memref<12496xi32, #tpu.memory_space<hbm>>
      %dma_start3A_140 = arith.constant 0 : i32
      %dma_start3A_141 = tpu.memref_slice %arg5[%dma_start3A_140] : memref<12504xi32, #tpu.memory_space<vmem>> -> memref<12496xi32, #tpu.memory_space<vmem>>
      %dma_start3A_142 = tpu.memref_slice %arg2[%multiple_of3A] : memref<400000xi32, #tpu.memory_space<hbm>> -> memref<12496xi32, #tpu.memory_space<hbm>>
      tpu.enqueue_dma source(%dma_start3A_142 : memref<12496xi32, #tpu.memory_space<hbm>>) target(%dma_start3A_141 : memref<12496xi32, #tpu.memory_space<vmem>>) target_semaphore(%run_scoped3A : memref<!tpu.dma_semaphore, #tpu.memory_space<semaphore_mem>>)
      %dma_wait3A_143 = arith.constant 0 : i32
      %dma_wait3A_144 = tpu.memref_slice %arg5[%dma_wait3A_143] : memref<12504xi32, #tpu.memory_space<vmem>> -> memref<12496xi32, #tpu.memory_space<vmem>>
      %dma_wait3A_145 = tpu.memref_slice %arg2[%multiple_of3A] : memref<400000xi32, #tpu.memory_space<hbm>> -> memref<12496xi32, #tpu.memory_space<hbm>>
      %dma_wait3A_146 = arith.constant 0 : i32
      %dma_wait3A_147 = tpu.memref_slice %arg5[%dma_wait3A_146] : memref<12504xi32, #tpu.memory_space<vmem>> -> memref<12496xi32, #tpu.memory_space<vmem>>
      %dma_wait3A_148 = tpu.memref_slice %arg2[%multiple_of3A] : memref<400000xi32, #tpu.memory_space<hbm>> -> memref<12496xi32, #tpu.memory_space<hbm>>
      tpu.wait_dma2 semaphore(%run_scoped3A : memref<!tpu.dma_semaphore, #tpu.memory_space<semaphore_mem>>) src(%dma_wait3A_148 : memref<12496xi32, #tpu.memory_space<hbm>>) dst(%dma_wait3A_147 : memref<12496xi32, #tpu.memory_space<vmem>>)
      tpu.yield
    }) : () -> ()
    %convert_element_type3A = arith.extui %eq3A_56 : i1 to i32
    %cond3A = arith.constant 0 : i32
    %cond3A_57 = arith.cmpi ne, %convert_element_type3A, %cond3A : i32
    scf.if %cond3A_57 {
      %add3A_137 = arith.constant 12496 : i32
      %add3A_138 = arith.addi %multiple_of3A, %add3A_137 : i32
      "tpu.region"() ({
        %run_scoped3A = tpu.sem_alloc : memref<!tpu.dma_semaphore, #tpu.memory_space<semaphore_mem>>
        %dma_start3A_139 = arith.constant 12496 : i32
        %dma_start3A_140 = tpu.memref_slice %arg5[%dma_start3A_139] : memref<12504xi32, #tpu.memory_space<vmem>> -> memref<8xi32, #tpu.memory_space<vmem>>
        %dma_start3A_141 = tpu.memref_slice %arg2[%add3A_138] : memref<400000xi32, #tpu.memory_space<hbm>> -> memref<8xi32, #tpu.memory_space<hbm>>
        %dma_start3A_142 = arith.constant 12496 : i32
        %dma_start3A_143 = tpu.memref_slice %arg5[%dma_start3A_142] : memref<12504xi32, #tpu.memory_space<vmem>> -> memref<8xi32, #tpu.memory_space<vmem>>
        %dma_start3A_144 = tpu.memref_slice %arg2[%add3A_138] : memref<400000xi32, #tpu.memory_space<hbm>> -> memref<8xi32, #tpu.memory_space<hbm>>
        tpu.enqueue_dma source(%dma_start3A_144 : memref<8xi32, #tpu.memory_space<hbm>>) target(%dma_start3A_143 : memref<8xi32, #tpu.memory_space<vmem>>) target_semaphore(%run_scoped3A : memref<!tpu.dma_semaphore, #tpu.memory_space<semaphore_mem>>)
        %dma_wait3A_145 = arith.constant 12496 : i32
        %dma_wait3A_146 = tpu.memref_slice %arg5[%dma_wait3A_145] : memref<12504xi32, #tpu.memory_space<vmem>> -> memref<8xi32, #tpu.memory_space<vmem>>
        %dma_wait3A_147 = tpu.memref_slice %arg2[%add3A_138] : memref<400000xi32, #tpu.memory_space<hbm>> -> memref<8xi32, #tpu.memory_space<hbm>>
        %dma_wait3A_148 = arith.constant 12496 : i32
        %dma_wait3A_149 = tpu.memref_slice %arg5[%dma_wait3A_148] : memref<12504xi32, #tpu.memory_space<vmem>> -> memref<8xi32, #tpu.memory_space<vmem>>
        %dma_wait3A_150 = tpu.memref_slice %arg2[%add3A_138] : memref<400000xi32, #tpu.memory_space<hbm>> -> memref<8xi32, #tpu.memory_space<hbm>>
        tpu.wait_dma2 semaphore(%run_scoped3A : memref<!tpu.dma_semaphore, #tpu.memory_space<semaphore_mem>>) src(%dma_wait3A_150 : memref<8xi32, #tpu.memory_space<hbm>>) dst(%dma_wait3A_149 : memref<8xi32, #tpu.memory_space<vmem>>)
        tpu.yield
      }) : () -> ()
    } else {
    }
    %scan3A = arith.constant 0 : i32
    %scan3A_58 = arith.constant 0 : i32
    %scan3A_59 = arith.constant 32 : i32
    %scan3A_60 = arith.addi %scan3A_58, %scan3A_59 : i32
    %scan3A_61 = arith.constant 1 : i32
    scf.for %scan3A_137 = %scan3A_58 to %scan3A_60 step %scan3A_61  : i32 {
      %mul3A_138 = arith.constant 3 : i32
      %mul3A_139 = arith.muli %mul3A_138, %scan3A_137 : i32
      %eq3A_140 = arith.constant 0 : i32
      %eq3A_141 = arith.cmpi eq, %scan3A_137, %eq3A_140 : i32
      %convert_element_type3A_142 = arith.extui %eq3A_141 : i1 to i32
      %cond3A_143 = arith.constant 0 : i32
      %cond3A_144 = arith.cmpi ne, %convert_element_type3A_142, %cond3A_143 : i32
      scf.if %cond3A_144 {
        %dma_start3A_149 = arith.constant 0 : i32
        %dma_start3A_150 = arith.constant 0 : i32
        %dma_start3A_151 = tpu.memref_slice %arg6[%dma_start3A_149, %dma_start3A_150] : memref<128x128xf32, #tpu.memory_space<vmem>> -> memref<128x128xf32, #tpu.memory_space<vmem>>
        %dma_start3A_152 = arith.constant 0 : i32
        %dma_start3A_153 = tpu.memref_slice %arg5[%dma_start3A_152] : memref<12504xi32, #tpu.memory_space<vmem>> -> memref<128xi32, #tpu.memory_space<vmem>>
        %dma_start3A_154 = arith.constant 0 : i32
        %dma_start3A_155 = arith.constant 0 : i32
        %dma_start3A_156 = tpu.memref_slice %arg3[%select_n3A, %dma_start3A_154, %dma_start3A_155] : memref<4x50000x128xf32, #tpu.memory_space<hbm>> -> memref<1x50000x128xf32, #tpu.memory_space<hbm>>
        %dma_start3A_157 = tpu.memref_squeeze %dma_start3A_156 : memref<1x50000x128xf32, #tpu.memory_space<hbm>> -> memref<50000x128xf32, #tpu.memory_space<hbm>>
        %dma_start3A_158 = arith.constant 0 : i32
        %dma_start3A_159 = arith.constant 0 : i32
        %dma_start3A_160 = tpu.memref_slice %dma_start3A_157[%dma_start3A_158, %dma_start3A_159] : memref<50000x128xf32, #tpu.memory_space<hbm>> -> memref<50000x128xf32, #tpu.memory_space<hbm>>
        tpu.enqueue_indirect_dma source(%dma_start3A_160 : memref<50000x128xf32, #tpu.memory_space<hbm>>) target(%dma_start3A_151 : memref<128x128xf32, #tpu.memory_space<vmem>>) offsets(%dma_start3A_153 : memref<128xi32, #tpu.memory_space<vmem>>) semaphore(%arg9 : memref<!tpu.dma_semaphore, #tpu.memory_space<semaphore_mem>>)
        %dma_start3A_161 = arith.constant 0 : i32
        %dma_start3A_162 = arith.constant 0 : i32
        %dma_start3A_163 = tpu.memref_slice %arg7[%dma_start3A_161, %dma_start3A_162] : memref<128x128xf32, #tpu.memory_space<vmem>> -> memref<128x128xf32, #tpu.memory_space<vmem>>
        %dma_start3A_164 = arith.constant 128 : i32
        %dma_start3A_165 = tpu.memref_slice %arg5[%dma_start3A_164] : memref<12504xi32, #tpu.memory_space<vmem>> -> memref<128xi32, #tpu.memory_space<vmem>>
        %dma_start3A_166 = arith.constant 0 : i32
        %dma_start3A_167 = arith.constant 0 : i32
        %dma_start3A_168 = tpu.memref_slice %arg3[%select_n3A, %dma_start3A_166, %dma_start3A_167] : memref<4x50000x128xf32, #tpu.memory_space<hbm>> -> memref<1x50000x128xf32, #tpu.memory_space<hbm>>
        %dma_start3A_169 = tpu.memref_squeeze %dma_start3A_168 : memref<1x50000x128xf32, #tpu.memory_space<hbm>> -> memref<50000x128xf32, #tpu.memory_space<hbm>>
        %dma_start3A_170 = arith.constant 0 : i32
        %dma_start3A_171 = arith.constant 0 : i32
        %dma_start3A_172 = tpu.memref_slice %dma_start3A_169[%dma_start3A_170, %dma_start3A_171] : memref<50000x128xf32, #tpu.memory_space<hbm>> -> memref<50000x128xf32, #tpu.memory_space<hbm>>
        tpu.enqueue_indirect_dma source(%dma_start3A_172 : memref<50000x128xf32, #tpu.memory_space<hbm>>) target(%dma_start3A_163 : memref<128x128xf32, #tpu.memory_space<vmem>>) offsets(%dma_start3A_165 : memref<128xi32, #tpu.memory_space<vmem>>) semaphore(%arg10 : memref<!tpu.dma_semaphore, #tpu.memory_space<semaphore_mem>>)
        %dma_wait3A_173 = arith.constant 0 : i32
        %dma_wait3A_174 = arith.constant 0 : i32
        %dma_wait3A_175 = arith.constant 0 : i32
        %dma_wait3A_176 = tpu.memref_slice %arg6[%dma_wait3A_174, %dma_wait3A_175] : memref<128x128xf32, #tpu.memory_space<vmem>> -> memref<128x128xf32, #tpu.memory_space<vmem>>
        %dma_wait3A_177 = arith.constant 0 : i32
        %dma_wait3A_178 = arith.constant 0 : i32
        %dma_wait3A_179 = tpu.memref_slice %arg3[%dma_wait3A_173, %dma_wait3A_177, %dma_wait3A_178] : memref<4x50000x128xf32, #tpu.memory_space<hbm>> -> memref<1x50000x128xf32, #tpu.memory_space<hbm>>
        %dma_wait3A_180 = tpu.memref_squeeze %dma_wait3A_179 : memref<1x50000x128xf32, #tpu.memory_space<hbm>> -> memref<50000x128xf32, #tpu.memory_space<hbm>>
        %dma_wait3A_181 = arith.constant 0 : i32
        %dma_wait3A_182 = arith.constant 0 : i32
        %dma_wait3A_183 = tpu.memref_slice %dma_wait3A_180[%dma_wait3A_181, %dma_wait3A_182] : memref<50000x128xf32, #tpu.memory_space<hbm>> -> memref<128x128xf32, #tpu.memory_space<hbm>>
        %dma_wait3A_184 = arith.constant 0 : i32
        %dma_wait3A_185 = arith.constant 0 : i32
        %dma_wait3A_186 = tpu.memref_slice %arg6[%dma_wait3A_184, %dma_wait3A_185] : memref<128x128xf32, #tpu.memory_space<vmem>> -> memref<128x128xf32, #tpu.memory_space<vmem>>
        %dma_wait3A_187 = arith.constant 0 : i32
        %dma_wait3A_188 = arith.constant 0 : i32
        %dma_wait3A_189 = tpu.memref_slice %arg3[%dma_wait3A_173, %dma_wait3A_187, %dma_wait3A_188] : memref<4x50000x128xf32, #tpu.memory_space<hbm>> -> memref<1x50000x128xf32, #tpu.memory_space<hbm>>
        %dma_wait3A_190 = tpu.memref_squeeze %dma_wait3A_189 : memref<1x50000x128xf32, #tpu.memory_space<hbm>> -> memref<50000x128xf32, #tpu.memory_space<hbm>>
        %dma_wait3A_191 = arith.constant 0 : i32
        %dma_wait3A_192 = arith.constant 0 : i32
        %dma_wait3A_193 = tpu.memref_slice %dma_wait3A_190[%dma_wait3A_191, %dma_wait3A_192] : memref<50000x128xf32, #tpu.memory_space<hbm>> -> memref<128x128xf32, #tpu.memory_space<hbm>>
        tpu.wait_dma2 semaphore(%arg9 : memref<!tpu.dma_semaphore, #tpu.memory_space<semaphore_mem>>) src(%dma_wait3A_193 : memref<128x128xf32, #tpu.memory_space<hbm>>) dst(%dma_wait3A_186 : memref<128x128xf32, #tpu.memory_space<vmem>>)
        %add3A_194 = arith.constant 0 : i32
        %add3A_195 = arith.addi %multiple_of3A, %add3A_194 : i32
        %dma_start3A_196 = arith.constant 0 : i32
        %dma_start3A_197 = arith.constant 0 : i32
        %dma_start3A_198 = tpu.memref_slice %arg6[%dma_start3A_196, %dma_start3A_197] : memref<128x128xf32, #tpu.memory_space<vmem>> -> memref<128x128xf32, #tpu.memory_space<vmem>>
        %dma_start3A_199 = arith.constant 0 : i32
        %dma_start3A_200 = tpu.memref_slice %arg4[%add3A_195, %dma_start3A_199] : memref<400000x128xf32, #tpu.memory_space<hbm>> -> memref<128x128xf32, #tpu.memory_space<hbm>>
        %dma_start3A_201 = arith.constant 0 : i32
        %dma_start3A_202 = tpu.memref_slice %arg4[%add3A_195, %dma_start3A_201] : memref<400000x128xf32, #tpu.memory_space<hbm>> -> memref<128x128xf32, #tpu.memory_space<hbm>>
        %dma_start3A_203 = arith.constant 0 : i32
        %dma_start3A_204 = arith.constant 0 : i32
        %dma_start3A_205 = tpu.memref_slice %arg6[%dma_start3A_203, %dma_start3A_204] : memref<128x128xf32, #tpu.memory_space<vmem>> -> memref<128x128xf32, #tpu.memory_space<vmem>>
        tpu.enqueue_dma source(%dma_start3A_205 : memref<128x128xf32, #tpu.memory_space<vmem>>) target(%dma_start3A_202 : memref<128x128xf32, #tpu.memory_space<hbm>>) target_semaphore(%arg12 : memref<!tpu.dma_semaphore, #tpu.memory_space<semaphore_mem>>)
        %dma_start3A_206 = arith.constant 0 : i32
        %dma_start3A_207 = arith.constant 0 : i32
        %dma_start3A_208 = tpu.memref_slice %arg8[%dma_start3A_206, %dma_start3A_207] : memref<128x128xf32, #tpu.memory_space<vmem>> -> memref<128x128xf32, #tpu.memory_space<vmem>>
        %dma_start3A_209 = arith.constant 256 : i32
        %dma_start3A_210 = tpu.memref_slice %arg5[%dma_start3A_209] : memref<12504xi32, #tpu.memory_space<vmem>> -> memref<128xi32, #tpu.memory_space<vmem>>
        %dma_start3A_211 = arith.constant 0 : i32
        %dma_start3A_212 = arith.constant 0 : i32
        %dma_start3A_213 = tpu.memref_slice %arg3[%select_n3A, %dma_start3A_211, %dma_start3A_212] : memref<4x50000x128xf32, #tpu.memory_space<hbm>> -> memref<1x50000x128xf32, #tpu.memory_space<hbm>>
        %dma_start3A_214 = tpu.memref_squeeze %dma_start3A_213 : memref<1x50000x128xf32, #tpu.memory_space<hbm>> -> memref<50000x128xf32, #tpu.memory_space<hbm>>
        %dma_start3A_215 = arith.constant 0 : i32
        %dma_start3A_216 = arith.constant 0 : i32
        %dma_start3A_217 = tpu.memref_slice %dma_start3A_214[%dma_start3A_215, %dma_start3A_216] : memref<50000x128xf32, #tpu.memory_space<hbm>> -> memref<50000x128xf32, #tpu.memory_space<hbm>>
        tpu.enqueue_indirect_dma source(%dma_start3A_217 : memref<50000x128xf32, #tpu.memory_space<hbm>>) target(%dma_start3A_208 : memref<128x128xf32, #tpu.memory_space<vmem>>) offsets(%dma_start3A_210 : memref<128xi32, #tpu.memory_space<vmem>>) semaphore(%arg11 : memref<!tpu.dma_semaphore, #tpu.memory_space<semaphore_mem>>)
        %dma_wait3A_218 = arith.constant 0 : i32
        %dma_wait3A_219 = arith.constant 0 : i32
        %dma_wait3A_220 = arith.constant 0 : i32
        %dma_wait3A_221 = tpu.memref_slice %arg7[%dma_wait3A_219, %dma_wait3A_220] : memref<128x128xf32, #tpu.memory_space<vmem>> -> memref<128x128xf32, #tpu.memory_space<vmem>>
        %dma_wait3A_222 = arith.constant 0 : i32
        %dma_wait3A_223 = arith.constant 0 : i32
        %dma_wait3A_224 = tpu.memref_slice %arg3[%dma_wait3A_218, %dma_wait3A_222, %dma_wait3A_223] : memref<4x50000x128xf32, #tpu.memory_space<hbm>> -> memref<1x50000x128xf32, #tpu.memory_space<hbm>>
        %dma_wait3A_225 = tpu.memref_squeeze %dma_wait3A_224 : memref<1x50000x128xf32, #tpu.memory_space<hbm>> -> memref<50000x128xf32, #tpu.memory_space<hbm>>
        %dma_wait3A_226 = arith.constant 0 : i32
        %dma_wait3A_227 = arith.constant 0 : i32
        %dma_wait3A_228 = tpu.memref_slice %dma_wait3A_225[%dma_wait3A_226, %dma_wait3A_227] : memref<50000x128xf32, #tpu.memory_space<hbm>> -> memref<128x128xf32, #tpu.memory_space<hbm>>
        %dma_wait3A_229 = arith.constant 0 : i32
        %dma_wait3A_230 = arith.constant 0 : i32
        %dma_wait3A_231 = tpu.memref_slice %arg7[%dma_wait3A_229, %dma_wait3A_230] : memref<128x128xf32, #tpu.memory_space<vmem>> -> memref<128x128xf32, #tpu.memory_space<vmem>>
        %dma_wait3A_232 = arith.constant 0 : i32
        %dma_wait3A_233 = arith.constant 0 : i32
        %dma_wait3A_234 = tpu.memref_slice %arg3[%dma_wait3A_218, %dma_wait3A_232, %dma_wait3A_233] : memref<4x50000x128xf32, #tpu.memory_space<hbm>> -> memref<1x50000x128xf32, #tpu.memory_space<hbm>>
        %dma_wait3A_235 = tpu.memref_squeeze %dma_wait3A_234 : memref<1x50000x128xf32, #tpu.memory_space<hbm>> -> memref<50000x128xf32, #tpu.memory_space<hbm>>
        %dma_wait3A_236 = arith.constant 0 : i32
        %dma_wait3A_237 = arith.constant 0 : i32
        %dma_wait3A_238 = tpu.memref_slice %dma_wait3A_235[%dma_wait3A_236, %dma_wait3A_237] : memref<50000x128xf32, #tpu.memory_space<hbm>> -> memref<128x128xf32, #tpu.memory_space<hbm>>
        tpu.wait_dma2 semaphore(%arg10 : memref<!tpu.dma_semaphore, #tpu.memory_space<semaphore_mem>>) src(%dma_wait3A_238 : memref<128x128xf32, #tpu.memory_space<hbm>>) dst(%dma_wait3A_231 : memref<128x128xf32, #tpu.memory_space<vmem>>)
        %add3A_239 = arith.constant 128 : i32
        %add3A_240 = arith.addi %multiple_of3A, %add3A_239 : i32
        %dma_start3A_241 = arith.constant 0 : i32
        %dma_start3A_242 = arith.constant 0 : i32
        %dma_start3A_243 = tpu.memref_slice %arg7[%dma_start3A_241, %dma_start3A_242] : memref<128x128xf32, #tpu.memory_space<vmem>> -> memref<128x128xf32, #tpu.memory_space<vmem>>
        %dma_start3A_244 = arith.constant 0 : i32
        %dma_start3A_245 = tpu.memref_slice %arg4[%add3A_240, %dma_start3A_244] : memref<400000x128xf32, #tpu.memory_space<hbm>> -> memref<128x128xf32, #tpu.memory_space<hbm>>
        %dma_start3A_246 = arith.constant 0 : i32
        %dma_start3A_247 = tpu.memref_slice %arg4[%add3A_240, %dma_start3A_246] : memref<400000x128xf32, #tpu.memory_space<hbm>> -> memref<128x128xf32, #tpu.memory_space<hbm>>
        %dma_start3A_248 = arith.constant 0 : i32
        %dma_start3A_249 = arith.constant 0 : i32
        %dma_start3A_250 = tpu.memref_slice %arg7[%dma_start3A_248, %dma_start3A_249] : memref<128x128xf32, #tpu.memory_space<vmem>> -> memref<128x128xf32, #tpu.memory_space<vmem>>
        tpu.enqueue_dma source(%dma_start3A_250 : memref<128x128xf32, #tpu.memory_space<vmem>>) target(%dma_start3A_247 : memref<128x128xf32, #tpu.memory_space<hbm>>) target_semaphore(%arg13 : memref<!tpu.dma_semaphore, #tpu.memory_space<semaphore_mem>>)
      } else {
      }
      %gt3A = arith.constant 0 : i32
      %gt3A_145 = arith.cmpi sgt, %scan3A_137, %gt3A : i32
      %convert_element_type3A_146 = arith.extui %gt3A_145 : i1 to i32
      %cond3A_147 = arith.constant 0 : i32
      %cond3A_148 = arith.cmpi ne, %convert_element_type3A_146, %cond3A_147 : i32
      scf.if %cond3A_148 {
        %sub3A_149 = arith.constant 3 : i32
        %sub3A_150 = arith.subi %mul3A_139, %sub3A_149 : i32
        %mul3A_151 = arith.constant 128 : i32
        %mul3A_152 = arith.muli %sub3A_150, %mul3A_151 : i32
        %add3A_153 = arith.addi %multiple_of3A, %mul3A_152 : i32
        %dma_wait3A_154 = arith.constant 0 : i32
        %dma_wait3A_155 = arith.constant 0 : i32
        %dma_wait3A_156 = tpu.memref_slice %arg6[%dma_wait3A_154, %dma_wait3A_155] : memref<128x128xf32, #tpu.memory_space<vmem>> -> memref<128x128xf32, #tpu.memory_space<vmem>>
        %dma_wait3A_157 = arith.constant 0 : i32
        %dma_wait3A_158 = tpu.memref_slice %arg4[%add3A_153, %dma_wait3A_157] : memref<400000x128xf32, #tpu.memory_space<hbm>> -> memref<128x128xf32, #tpu.memory_space<hbm>>
        %dma_wait3A_159 = arith.constant 0 : i32
        %dma_wait3A_160 = tpu.memref_slice %arg4[%add3A_153, %dma_wait3A_159] : memref<400000x128xf32, #tpu.memory_space<hbm>> -> memref<128x128xf32, #tpu.memory_space<hbm>>
        %dma_wait3A_161 = arith.constant 0 : i32
        %dma_wait3A_162 = arith.constant 0 : i32
        %dma_wait3A_163 = tpu.memref_slice %arg6[%dma_wait3A_161, %dma_wait3A_162] : memref<128x128xf32, #tpu.memory_space<vmem>> -> memref<128x128xf32, #tpu.memory_space<vmem>>
        tpu.wait_dma2 semaphore(%arg12 : memref<!tpu.dma_semaphore, #tpu.memory_space<semaphore_mem>>) src(%dma_wait3A_163 : memref<128x128xf32, #tpu.memory_space<vmem>>) dst(%dma_wait3A_160 : memref<128x128xf32, #tpu.memory_space<hbm>>)
        %mul3A_164 = arith.constant 128 : i32
        %mul3A_165 = arith.muli %mul3A_139, %mul3A_164 : i32
        %dma_start3A_166 = arith.constant 0 : i32
        %dma_start3A_167 = arith.constant 0 : i32
        %dma_start3A_168 = tpu.memref_slice %arg6[%dma_start3A_166, %dma_start3A_167] : memref<128x128xf32, #tpu.memory_space<vmem>> -> memref<128x128xf32, #tpu.memory_space<vmem>>
        %dma_start3A_169 = tpu.memref_slice %arg5[%mul3A_165] : memref<12504xi32, #tpu.memory_space<vmem>> -> memref<128xi32, #tpu.memory_space<vmem>>
        %dma_start3A_170 = arith.constant 0 : i32
        %dma_start3A_171 = arith.constant 0 : i32
        %dma_start3A_172 = tpu.memref_slice %arg3[%select_n3A, %dma_start3A_170, %dma_start3A_171] : memref<4x50000x128xf32, #tpu.memory_space<hbm>> -> memref<1x50000x128xf32, #tpu.memory_space<hbm>>
        %dma_start3A_173 = tpu.memref_squeeze %dma_start3A_172 : memref<1x50000x128xf32, #tpu.memory_space<hbm>> -> memref<50000x128xf32, #tpu.memory_space<hbm>>
        %dma_start3A_174 = arith.constant 0 : i32
        %dma_start3A_175 = arith.constant 0 : i32
        %dma_start3A_176 = tpu.memref_slice %dma_start3A_173[%dma_start3A_174, %dma_start3A_175] : memref<50000x128xf32, #tpu.memory_space<hbm>> -> memref<50000x128xf32, #tpu.memory_space<hbm>>
        tpu.enqueue_indirect_dma source(%dma_start3A_176 : memref<50000x128xf32, #tpu.memory_space<hbm>>) target(%dma_start3A_168 : memref<128x128xf32, #tpu.memory_space<vmem>>) offsets(%dma_start3A_169 : memref<128xi32, #tpu.memory_space<vmem>>) semaphore(%arg9 : memref<!tpu.dma_semaphore, #tpu.memory_space<semaphore_mem>>)
        %dma_wait3A_177 = arith.constant 0 : i32
        %dma_wait3A_178 = arith.constant 0 : i32
        %dma_wait3A_179 = arith.constant 0 : i32
        %dma_wait3A_180 = tpu.memref_slice %arg8[%dma_wait3A_178, %dma_wait3A_179] : memref<128x128xf32, #tpu.memory_space<vmem>> -> memref<128x128xf32, #tpu.memory_space<vmem>>
        %dma_wait3A_181 = arith.constant 0 : i32
        %dma_wait3A_182 = arith.constant 0 : i32
        %dma_wait3A_183 = tpu.memref_slice %arg3[%dma_wait3A_177, %dma_wait3A_181, %dma_wait3A_182] : memref<4x50000x128xf32, #tpu.memory_space<hbm>> -> memref<1x50000x128xf32, #tpu.memory_space<hbm>>
        %dma_wait3A_184 = tpu.memref_squeeze %dma_wait3A_183 : memref<1x50000x128xf32, #tpu.memory_space<hbm>> -> memref<50000x128xf32, #tpu.memory_space<hbm>>
        %dma_wait3A_185 = arith.constant 0 : i32
        %dma_wait3A_186 = arith.constant 0 : i32
        %dma_wait3A_187 = tpu.memref_slice %dma_wait3A_184[%dma_wait3A_185, %dma_wait3A_186] : memref<50000x128xf32, #tpu.memory_space<hbm>> -> memref<128x128xf32, #tpu.memory_space<hbm>>
        %dma_wait3A_188 = arith.constant 0 : i32
        %dma_wait3A_189 = arith.constant 0 : i32
        %dma_wait3A_190 = tpu.memref_slice %arg8[%dma_wait3A_188, %dma_wait3A_189] : memref<128x128xf32, #tpu.memory_space<vmem>> -> memref<128x128xf32, #tpu.memory_space<vmem>>
        %dma_wait3A_191 = arith.constant 0 : i32
        %dma_wait3A_192 = arith.constant 0 : i32
        %dma_wait3A_193 = tpu.memref_slice %arg3[%dma_wait3A_177, %dma_wait3A_191, %dma_wait3A_192] : memref<4x50000x128xf32, #tpu.memory_space<hbm>> -> memref<1x50000x128xf32, #tpu.memory_space<hbm>>
        %dma_wait3A_194 = tpu.memref_squeeze %dma_wait3A_193 : memref<1x50000x128xf32, #tpu.memory_space<hbm>> -> memref<50000x128xf32, #tpu.memory_space<hbm>>
        %dma_wait3A_195 = arith.constant 0 : i32
        %dma_wait3A_196 = arith.constant 0 : i32
        %dma_wait3A_197 = tpu.memref_slice %dma_wait3A_194[%dma_wait3A_195, %dma_wait3A_196] : memref<50000x128xf32, #tpu.memory_space<hbm>> -> memref<128x128xf32, #tpu.memory_space<hbm>>
        tpu.wait_dma2 semaphore(%arg11 : memref<!tpu.dma_semaphore, #tpu.memory_space<semaphore_mem>>) src(%dma_wait3A_197 : memref<128x128xf32, #tpu.memory_space<hbm>>) dst(%dma_wait3A_190 : memref<128x128xf32, #tpu.memory_space<vmem>>)
        %sub3A_198 = arith.constant 1 : i32
        %sub3A_199 = arith.subi %mul3A_139, %sub3A_198 : i32
        %mul3A_200 = arith.constant 128 : i32
        %mul3A_201 = arith.muli %sub3A_199, %mul3A_200 : i32
        %add3A_202 = arith.addi %multiple_of3A, %mul3A_201 : i32
        %dma_start3A_203 = arith.constant 0 : i32
        %dma_start3A_204 = arith.constant 0 : i32
        %dma_start3A_205 = tpu.memref_slice %arg8[%dma_start3A_203, %dma_start3A_204] : memref<128x128xf32, #tpu.memory_space<vmem>> -> memref<128x128xf32, #tpu.memory_space<vmem>>
        %dma_start3A_206 = arith.constant 0 : i32
        %dma_start3A_207 = tpu.memref_slice %arg4[%add3A_202, %dma_start3A_206] : memref<400000x128xf32, #tpu.memory_space<hbm>> -> memref<128x128xf32, #tpu.memory_space<hbm>>
        %dma_start3A_208 = arith.constant 0 : i32
        %dma_start3A_209 = tpu.memref_slice %arg4[%add3A_202, %dma_start3A_208] : memref<400000x128xf32, #tpu.memory_space<hbm>> -> memref<128x128xf32, #tpu.memory_space<hbm>>
        %dma_start3A_210 = arith.constant 0 : i32
        %dma_start3A_211 = arith.constant 0 : i32
        %dma_start3A_212 = tpu.memref_slice %arg8[%dma_start3A_210, %dma_start3A_211] : memref<128x128xf32, #tpu.memory_space<vmem>> -> memref<128x128xf32, #tpu.memory_space<vmem>>
        tpu.enqueue_dma source(%dma_start3A_212 : memref<128x128xf32, #tpu.memory_space<vmem>>) target(%dma_start3A_209 : memref<128x128xf32, #tpu.memory_space<hbm>>) target_semaphore(%arg14 : memref<!tpu.dma_semaphore, #tpu.memory_space<semaphore_mem>>)
        %add3A_213 = arith.constant 1 : i32
        %add3A_214 = arith.addi %mul3A_139, %add3A_213 : i32
        %sub3A_215 = arith.constant 3 : i32
        %sub3A_216 = arith.subi %add3A_214, %sub3A_215 : i32
        %mul3A_217 = arith.constant 128 : i32
        %mul3A_218 = arith.muli %sub3A_216, %mul3A_217 : i32
        %add3A_219 = arith.addi %multiple_of3A, %mul3A_218 : i32
        %dma_wait3A_220 = arith.constant 0 : i32
        %dma_wait3A_221 = arith.constant 0 : i32
        %dma_wait3A_222 = tpu.memref_slice %arg7[%dma_wait3A_220, %dma_wait3A_221] : memref<128x128xf32, #tpu.memory_space<vmem>> -> memref<128x128xf32, #tpu.memory_space<vmem>>
        %dma_wait3A_223 = arith.constant 0 : i32
        %dma_wait3A_224 = tpu.memref_slice %arg4[%add3A_219, %dma_wait3A_223] : memref<400000x128xf32, #tpu.memory_space<hbm>> -> memref<128x128xf32, #tpu.memory_space<hbm>>
        %dma_wait3A_225 = arith.constant 0 : i32
        %dma_wait3A_226 = tpu.memref_slice %arg4[%add3A_219, %dma_wait3A_225] : memref<400000x128xf32, #tpu.memory_space<hbm>> -> memref<128x128xf32, #tpu.memory_space<hbm>>
        %dma_wait3A_227 = arith.constant 0 : i32
        %dma_wait3A_228 = arith.constant 0 : i32
        %dma_wait3A_229 = tpu.memref_slice %arg7[%dma_wait3A_227, %dma_wait3A_228] : memref<128x128xf32, #tpu.memory_space<vmem>> -> memref<128x128xf32, #tpu.memory_space<vmem>>
        tpu.wait_dma2 semaphore(%arg13 : memref<!tpu.dma_semaphore, #tpu.memory_space<semaphore_mem>>) src(%dma_wait3A_229 : memref<128x128xf32, #tpu.memory_space<vmem>>) dst(%dma_wait3A_226 : memref<128x128xf32, #tpu.memory_space<hbm>>)
        %mul3A_230 = arith.constant 128 : i32
        %mul3A_231 = arith.muli %add3A_214, %mul3A_230 : i32
        %dma_start3A_232 = arith.constant 0 : i32
        %dma_start3A_233 = arith.constant 0 : i32
        %dma_start3A_234 = tpu.memref_slice %arg7[%dma_start3A_232, %dma_start3A_233] : memref<128x128xf32, #tpu.memory_space<vmem>> -> memref<128x128xf32, #tpu.memory_space<vmem>>
        %dma_start3A_235 = tpu.memref_slice %arg5[%mul3A_231] : memref<12504xi32, #tpu.memory_space<vmem>> -> memref<128xi32, #tpu.memory_space<vmem>>
        %dma_start3A_236 = arith.constant 0 : i32
        %dma_start3A_237 = arith.constant 0 : i32
        %dma_start3A_238 = tpu.memref_slice %arg3[%select_n3A, %dma_start3A_236, %dma_start3A_237] : memref<4x50000x128xf32, #tpu.memory_space<hbm>> -> memref<1x50000x128xf32, #tpu.memory_space<hbm>>
        %dma_start3A_239 = tpu.memref_squeeze %dma_start3A_238 : memref<1x50000x128xf32, #tpu.memory_space<hbm>> -> memref<50000x128xf32, #tpu.memory_space<hbm>>
        %dma_start3A_240 = arith.constant 0 : i32
        %dma_start3A_241 = arith.constant 0 : i32
        %dma_start3A_242 = tpu.memref_slice %dma_start3A_239[%dma_start3A_240, %dma_start3A_241] : memref<50000x128xf32, #tpu.memory_space<hbm>> -> memref<50000x128xf32, #tpu.memory_space<hbm>>
        tpu.enqueue_indirect_dma source(%dma_start3A_242 : memref<50000x128xf32, #tpu.memory_space<hbm>>) target(%dma_start3A_234 : memref<128x128xf32, #tpu.memory_space<vmem>>) offsets(%dma_start3A_235 : memref<128xi32, #tpu.memory_space<vmem>>) semaphore(%arg10 : memref<!tpu.dma_semaphore, #tpu.memory_space<semaphore_mem>>)
        %dma_wait3A_243 = arith.constant 0 : i32
        %dma_wait3A_244 = arith.constant 0 : i32
        %dma_wait3A_245 = arith.constant 0 : i32
        %dma_wait3A_246 = tpu.memref_slice %arg6[%dma_wait3A_244, %dma_wait3A_245] : memref<128x128xf32, #tpu.memory_space<vmem>> -> memref<128x128xf32, #tpu.memory_space<vmem>>
        %dma_wait3A_247 = arith.constant 0 : i32
        %dma_wait3A_248 = arith.constant 0 : i32
        %dma_wait3A_249 = tpu.memref_slice %arg3[%dma_wait3A_243, %dma_wait3A_247, %dma_wait3A_248] : memref<4x50000x128xf32, #tpu.memory_space<hbm>> -> memref<1x50000x128xf32, #tpu.memory_space<hbm>>
        %dma_wait3A_250 = tpu.memref_squeeze %dma_wait3A_249 : memref<1x50000x128xf32, #tpu.memory_space<hbm>> -> memref<50000x128xf32, #tpu.memory_space<hbm>>
        %dma_wait3A_251 = arith.constant 0 : i32
        %dma_wait3A_252 = arith.constant 0 : i32
        %dma_wait3A_253 = tpu.memref_slice %dma_wait3A_250[%dma_wait3A_251, %dma_wait3A_252] : memref<50000x128xf32, #tpu.memory_space<hbm>> -> memref<128x128xf32, #tpu.memory_space<hbm>>
        %dma_wait3A_254 = arith.constant 0 : i32
        %dma_wait3A_255 = arith.constant 0 : i32
        %dma_wait3A_256 = tpu.memref_slice %arg6[%dma_wait3A_254, %dma_wait3A_255] : memref<128x128xf32, #tpu.memory_space<vmem>> -> memref<128x128xf32, #tpu.memory_space<vmem>>
        %dma_wait3A_257 = arith.constant 0 : i32
        %dma_wait3A_258 = arith.constant 0 : i32
        %dma_wait3A_259 = tpu.memref_slice %arg3[%dma_wait3A_243, %dma_wait3A_257, %dma_wait3A_258] : memref<4x50000x128xf32, #tpu.memory_space<hbm>> -> memref<1x50000x128xf32, #tpu.memory_space<hbm>>
        %dma_wait3A_260 = tpu.memref_squeeze %dma_wait3A_259 : memref<1x50000x128xf32, #tpu.memory_space<hbm>> -> memref<50000x128xf32, #tpu.memory_space<hbm>>
        %dma_wait3A_261 = arith.constant 0 : i32
        %dma_wait3A_262 = arith.constant 0 : i32
        %dma_wait3A_263 = tpu.memref_slice %dma_wait3A_260[%dma_wait3A_261, %dma_wait3A_262] : memref<50000x128xf32, #tpu.memory_space<hbm>> -> memref<128x128xf32, #tpu.memory_space<hbm>>
        tpu.wait_dma2 semaphore(%arg9 : memref<!tpu.dma_semaphore, #tpu.memory_space<semaphore_mem>>) src(%dma_wait3A_263 : memref<128x128xf32, #tpu.memory_space<hbm>>) dst(%dma_wait3A_256 : memref<128x128xf32, #tpu.memory_space<vmem>>)
        %sub3A_264 = arith.constant 1 : i32
        %sub3A_265 = arith.subi %add3A_214, %sub3A_264 : i32
        %mul3A_266 = arith.constant 128 : i32
        %mul3A_267 = arith.muli %sub3A_265, %mul3A_266 : i32
        %add3A_268 = arith.addi %multiple_of3A, %mul3A_267 : i32
        %dma_start3A_269 = arith.constant 0 : i32
        %dma_start3A_270 = arith.constant 0 : i32
        %dma_start3A_271 = tpu.memref_slice %arg6[%dma_start3A_269, %dma_start3A_270] : memref<128x128xf32, #tpu.memory_space<vmem>> -> memref<128x128xf32, #tpu.memory_space<vmem>>
        %dma_start3A_272 = arith.constant 0 : i32
        %dma_start3A_273 = tpu.memref_slice %arg4[%add3A_268, %dma_start3A_272] : memref<400000x128xf32, #tpu.memory_space<hbm>> -> memref<128x128xf32, #tpu.memory_space<hbm>>
        %dma_start3A_274 = arith.constant 0 : i32
        %dma_start3A_275 = tpu.memref_slice %arg4[%add3A_268, %dma_start3A_274] : memref<400000x128xf32, #tpu.memory_space<hbm>> -> memref<128x128xf32, #tpu.memory_space<hbm>>
        %dma_start3A_276 = arith.constant 0 : i32
        %dma_start3A_277 = arith.constant 0 : i32
        %dma_start3A_278 = tpu.memref_slice %arg6[%dma_start3A_276, %dma_start3A_277] : memref<128x128xf32, #tpu.memory_space<vmem>> -> memref<128x128xf32, #tpu.memory_space<vmem>>
        tpu.enqueue_dma source(%dma_start3A_278 : memref<128x128xf32, #tpu.memory_space<vmem>>) target(%dma_start3A_275 : memref<128x128xf32, #tpu.memory_space<hbm>>) target_semaphore(%arg12 : memref<!tpu.dma_semaphore, #tpu.memory_space<semaphore_mem>>)
        %add3A_279 = arith.constant 2 : i32
        %add3A_280 = arith.addi %mul3A_139, %add3A_279 : i32
        %sub3A_281 = arith.constant 3 : i32
        %sub3A_282 = arith.subi %add3A_280, %sub3A_281 : i32
        %mul3A_283 = arith.constant 128 : i32
        %mul3A_284 = arith.muli %sub3A_282, %mul3A_283 : i32
        %add3A_285 = arith.addi %multiple_of3A, %mul3A_284 : i32
        %dma_wait3A_286 = arith.constant 0 : i32
        %dma_wait3A_287 = arith.constant 0 : i32
        %dma_wait3A_288 = tpu.memref_slice %arg8[%dma_wait3A_286, %dma_wait3A_287] : memref<128x128xf32, #tpu.memory_space<vmem>> -> memref<128x128xf32, #tpu.memory_space<vmem>>
        %dma_wait3A_289 = arith.constant 0 : i32
        %dma_wait3A_290 = tpu.memref_slice %arg4[%add3A_285, %dma_wait3A_289] : memref<400000x128xf32, #tpu.memory_space<hbm>> -> memref<128x128xf32, #tpu.memory_space<hbm>>
        %dma_wait3A_291 = arith.constant 0 : i32
        %dma_wait3A_292 = tpu.memref_slice %arg4[%add3A_285, %dma_wait3A_291] : memref<400000x128xf32, #tpu.memory_space<hbm>> -> memref<128x128xf32, #tpu.memory_space<hbm>>
        %dma_wait3A_293 = arith.constant 0 : i32
        %dma_wait3A_294 = arith.constant 0 : i32
        %dma_wait3A_295 = tpu.memref_slice %arg8[%dma_wait3A_293, %dma_wait3A_294] : memref<128x128xf32, #tpu.memory_space<vmem>> -> memref<128x128xf32, #tpu.memory_space<vmem>>
        tpu.wait_dma2 semaphore(%arg14 : memref<!tpu.dma_semaphore, #tpu.memory_space<semaphore_mem>>) src(%dma_wait3A_295 : memref<128x128xf32, #tpu.memory_space<vmem>>) dst(%dma_wait3A_292 : memref<128x128xf32, #tpu.memory_space<hbm>>)
        %mul3A_296 = arith.constant 128 : i32
        %mul3A_297 = arith.muli %add3A_280, %mul3A_296 : i32
        %dma_start3A_298 = arith.constant 0 : i32
        %dma_start3A_299 = arith.constant 0 : i32
        %dma_start3A_300 = tpu.memref_slice %arg8[%dma_start3A_298, %dma_start3A_299] : memref<128x128xf32, #tpu.memory_space<vmem>> -> memref<128x128xf32, #tpu.memory_space<vmem>>
        %dma_start3A_301 = tpu.memref_slice %arg5[%mul3A_297] : memref<12504xi32, #tpu.memory_space<vmem>> -> memref<128xi32, #tpu.memory_space<vmem>>
        %dma_start3A_302 = arith.constant 0 : i32
        %dma_start3A_303 = arith.constant 0 : i32
        %dma_start3A_304 = tpu.memref_slice %arg3[%select_n3A, %dma_start3A_302, %dma_start3A_303] : memref<4x50000x128xf32, #tpu.memory_space<hbm>> -> memref<1x50000x128xf32, #tpu.memory_space<hbm>>
        %dma_start3A_305 = tpu.memref_squeeze %dma_start3A_304 : memref<1x50000x128xf32, #tpu.memory_space<hbm>> -> memref<50000x128xf32, #tpu.memory_space<hbm>>
        %dma_start3A_306 = arith.constant 0 : i32
        %dma_start3A_307 = arith.constant 0 : i32
        %dma_start3A_308 = tpu.memref_slice %dma_start3A_305[%dma_start3A_306, %dma_start3A_307] : memref<50000x128xf32, #tpu.memory_space<hbm>> -> memref<50000x128xf32, #tpu.memory_space<hbm>>
        tpu.enqueue_indirect_dma source(%dma_start3A_308 : memref<50000x128xf32, #tpu.memory_space<hbm>>) target(%dma_start3A_300 : memref<128x128xf32, #tpu.memory_space<vmem>>) offsets(%dma_start3A_301 : memref<128xi32, #tpu.memory_space<vmem>>) semaphore(%arg11 : memref<!tpu.dma_semaphore, #tpu.memory_space<semaphore_mem>>)
        %dma_wait3A_309 = arith.constant 0 : i32
        %dma_wait3A_310 = arith.constant 0 : i32
        %dma_wait3A_311 = arith.constant 0 : i32
        %dma_wait3A_312 = tpu.memref_slice %arg7[%dma_wait3A_310, %dma_wait3A_311] : memref<128x128xf32, #tpu.memory_space<vmem>> -> memref<128x128xf32, #tpu.memory_space<vmem>>
        %dma_wait3A_313 = arith.constant 0 : i32
        %dma_wait3A_314 = arith.constant 0 : i32
        %dma_wait3A_315 = tpu.memref_slice %arg3[%dma_wait3A_309, %dma_wait3A_313, %dma_wait3A_314] : memref<4x50000x128xf32, #tpu.memory_space<hbm>> -> memref<1x50000x128xf32, #tpu.memory_space<hbm>>
        %dma_wait3A_316 = tpu.memref_squeeze %dma_wait3A_315 : memref<1x50000x128xf32, #tpu.memory_space<hbm>> -> memref<50000x128xf32, #tpu.memory_space<hbm>>
        %dma_wait3A_317 = arith.constant 0 : i32
        %dma_wait3A_318 = arith.constant 0 : i32
        %dma_wait3A_319 = tpu.memref_slice %dma_wait3A_316[%dma_wait3A_317, %dma_wait3A_318] : memref<50000x128xf32, #tpu.memory_space<hbm>> -> memref<128x128xf32, #tpu.memory_space<hbm>>
        %dma_wait3A_320 = arith.constant 0 : i32
        %dma_wait3A_321 = arith.constant 0 : i32
        %dma_wait3A_322 = tpu.memref_slice %arg7[%dma_wait3A_320, %dma_wait3A_321] : memref<128x128xf32, #tpu.memory_space<vmem>> -> memref<128x128xf32, #tpu.memory_space<vmem>>
        %dma_wait3A_323 = arith.constant 0 : i32
        %dma_wait3A_324 = arith.constant 0 : i32
        %dma_wait3A_325 = tpu.memref_slice %arg3[%dma_wait3A_309, %dma_wait3A_323, %dma_wait3A_324] : memref<4x50000x128xf32, #tpu.memory_space<hbm>> -> memref<1x50000x128xf32, #tpu.memory_space<hbm>>
        %dma_wait3A_326 = tpu.memref_squeeze %dma_wait3A_325 : memref<1x50000x128xf32, #tpu.memory_space<hbm>> -> memref<50000x128xf32, #tpu.memory_space<hbm>>
        %dma_wait3A_327 = arith.constant 0 : i32
        %dma_wait3A_328 = arith.constant 0 : i32
        %dma_wait3A_329 = tpu.memref_slice %dma_wait3A_326[%dma_wait3A_327, %dma_wait3A_328] : memref<50000x128xf32, #tpu.memory_space<hbm>> -> memref<128x128xf32, #tpu.memory_space<hbm>>
        tpu.wait_dma2 semaphore(%arg10 : memref<!tpu.dma_semaphore, #tpu.memory_space<semaphore_mem>>) src(%dma_wait3A_329 : memref<128x128xf32, #tpu.memory_space<hbm>>) dst(%dma_wait3A_322 : memref<128x128xf32, #tpu.memory_space<vmem>>)
        %sub3A_330 = arith.constant 1 : i32
        %sub3A_331 = arith.subi %add3A_280, %sub3A_330 : i32
        %mul3A_332 = arith.constant 128 : i32
        %mul3A_333 = arith.muli %sub3A_331, %mul3A_332 : i32
        %add3A_334 = arith.addi %multiple_of3A, %mul3A_333 : i32
        %dma_start3A_335 = arith.constant 0 : i32
        %dma_start3A_336 = arith.constant 0 : i32
        %dma_start3A_337 = tpu.memref_slice %arg7[%dma_start3A_335, %dma_start3A_336] : memref<128x128xf32, #tpu.memory_space<vmem>> -> memref<128x128xf32, #tpu.memory_space<vmem>>
        %dma_start3A_338 = arith.constant 0 : i32
        %dma_start3A_339 = tpu.memref_slice %arg4[%add3A_334, %dma_start3A_338] : memref<400000x128xf32, #tpu.memory_space<hbm>> -> memref<128x128xf32, #tpu.memory_space<hbm>>
        %dma_start3A_340 = arith.constant 0 : i32
        %dma_start3A_341 = tpu.memref_slice %arg4[%add3A_334, %dma_start3A_340] : memref<400000x128xf32, #tpu.memory_space<hbm>> -> memref<128x128xf32, #tpu.memory_space<hbm>>
        %dma_start3A_342 = arith.constant 0 : i32
        %dma_start3A_343 = arith.constant 0 : i32
        %dma_start3A_344 = tpu.memref_slice %arg7[%dma_start3A_342, %dma_start3A_343] : memref<128x128xf32, #tpu.memory_space<vmem>> -> memref<128x128xf32, #tpu.memory_space<vmem>>
        tpu.enqueue_dma source(%dma_start3A_344 : memref<128x128xf32, #tpu.memory_space<vmem>>) target(%dma_start3A_341 : memref<128x128xf32, #tpu.memory_space<hbm>>) target_semaphore(%arg13 : memref<!tpu.dma_semaphore, #tpu.memory_space<semaphore_mem>>)
      } else {
      }
    }
    %scan3A_62 = arith.constant 32 : i32
    %add3A_63 = arith.constant 11904 : i32
    %add3A_64 = arith.addi %multiple_of3A, %add3A_63 : i32
    %dma_wait3A = arith.constant 0 : i32
    %dma_wait3A_65 = arith.constant 0 : i32
    %dma_wait3A_66 = tpu.memref_slice %arg6[%dma_wait3A, %dma_wait3A_65] : memref<128x128xf32, #tpu.memory_space<vmem>> -> memref<128x128xf32, #tpu.memory_space<vmem>>
    %dma_wait3A_67 = arith.constant 0 : i32
    %dma_wait3A_68 = tpu.memref_slice %arg4[%add3A_64, %dma_wait3A_67] : memref<400000x128xf32, #tpu.memory_space<hbm>> -> memref<128x128xf32, #tpu.memory_space<hbm>>
    %dma_wait3A_69 = arith.constant 0 : i32
    %dma_wait3A_70 = tpu.memref_slice %arg4[%add3A_64, %dma_wait3A_69] : memref<400000x128xf32, #tpu.memory_space<hbm>> -> memref<128x128xf32, #tpu.memory_space<hbm>>
    %dma_wait3A_71 = arith.constant 0 : i32
    %dma_wait3A_72 = arith.constant 0 : i32
    %dma_wait3A_73 = tpu.memref_slice %arg6[%dma_wait3A_71, %dma_wait3A_72] : memref<128x128xf32, #tpu.memory_space<vmem>> -> memref<128x128xf32, #tpu.memory_space<vmem>>
    tpu.wait_dma2 semaphore(%arg12 : memref<!tpu.dma_semaphore, #tpu.memory_space<semaphore_mem>>) src(%dma_wait3A_73 : memref<128x128xf32, #tpu.memory_space<vmem>>) dst(%dma_wait3A_70 : memref<128x128xf32, #tpu.memory_space<hbm>>)
    %dma_start3A = arith.constant 0 : i32
    %dma_start3A_74 = arith.constant 0 : i32
    %dma_start3A_75 = tpu.memref_slice %arg6[%dma_start3A, %dma_start3A_74] : memref<128x128xf32, #tpu.memory_space<vmem>> -> memref<128x128xf32, #tpu.memory_space<vmem>>
    %dma_start3A_76 = arith.constant 12288 : i32
    %dma_start3A_77 = tpu.memref_slice %arg5[%dma_start3A_76] : memref<12504xi32, #tpu.memory_space<vmem>> -> memref<128xi32, #tpu.memory_space<vmem>>
    %dma_start3A_78 = arith.constant 0 : i32
    %dma_start3A_79 = arith.constant 0 : i32
    %dma_start3A_80 = tpu.memref_slice %arg3[%select_n3A, %dma_start3A_78, %dma_start3A_79] : memref<4x50000x128xf32, #tpu.memory_space<hbm>> -> memref<1x50000x128xf32, #tpu.memory_space<hbm>>
    %dma_start3A_81 = tpu.memref_squeeze %dma_start3A_80 : memref<1x50000x128xf32, #tpu.memory_space<hbm>> -> memref<50000x128xf32, #tpu.memory_space<hbm>>
    %dma_start3A_82 = arith.constant 0 : i32
    %dma_start3A_83 = arith.constant 0 : i32
    %dma_start3A_84 = tpu.memref_slice %dma_start3A_81[%dma_start3A_82, %dma_start3A_83] : memref<50000x128xf32, #tpu.memory_space<hbm>> -> memref<50000x128xf32, #tpu.memory_space<hbm>>
    tpu.enqueue_indirect_dma source(%dma_start3A_84 : memref<50000x128xf32, #tpu.memory_space<hbm>>) target(%dma_start3A_75 : memref<128x128xf32, #tpu.memory_space<vmem>>) offsets(%dma_start3A_77 : memref<128xi32, #tpu.memory_space<vmem>>) semaphore(%arg9 : memref<!tpu.dma_semaphore, #tpu.memory_space<semaphore_mem>>)
    %dma_wait3A_85 = arith.constant 0 : i32
    %dma_wait3A_86 = arith.constant 0 : i32
    %dma_wait3A_87 = arith.constant 0 : i32
    %dma_wait3A_88 = tpu.memref_slice %arg8[%dma_wait3A_86, %dma_wait3A_87] : memref<128x128xf32, #tpu.memory_space<vmem>> -> memref<128x128xf32, #tpu.memory_space<vmem>>
    %dma_wait3A_89 = arith.constant 0 : i32
    %dma_wait3A_90 = arith.constant 0 : i32
    %dma_wait3A_91 = tpu.memref_slice %arg3[%dma_wait3A_85, %dma_wait3A_89, %dma_wait3A_90] : memref<4x50000x128xf32, #tpu.memory_space<hbm>> -> memref<1x50000x128xf32, #tpu.memory_space<hbm>>
    %dma_wait3A_92 = tpu.memref_squeeze %dma_wait3A_91 : memref<1x50000x128xf32, #tpu.memory_space<hbm>> -> memref<50000x128xf32, #tpu.memory_space<hbm>>
    %dma_wait3A_93 = arith.constant 0 : i32
    %dma_wait3A_94 = arith.constant 0 : i32
    %dma_wait3A_95 = tpu.memref_slice %dma_wait3A_92[%dma_wait3A_93, %dma_wait3A_94] : memref<50000x128xf32, #tpu.memory_space<hbm>> -> memref<128x128xf32, #tpu.memory_space<hbm>>
    %dma_wait3A_96 = arith.constant 0 : i32
    %dma_wait3A_97 = arith.constant 0 : i32
    %dma_wait3A_98 = tpu.memref_slice %arg8[%dma_wait3A_96, %dma_wait3A_97] : memref<128x128xf32, #tpu.memory_space<vmem>> -> memref<128x128xf32, #tpu.memory_space<vmem>>
    %dma_wait3A_99 = arith.constant 0 : i32
    %dma_wait3A_100 = arith.constant 0 : i32
    %dma_wait3A_101 = tpu.memref_slice %arg3[%dma_wait3A_85, %dma_wait3A_99, %dma_wait3A_100] : memref<4x50000x128xf32, #tpu.memory_space<hbm>> -> memref<1x50000x128xf32, #tpu.memory_space<hbm>>
    %dma_wait3A_102 = tpu.memref_squeeze %dma_wait3A_101 : memref<1x50000x128xf32, #tpu.memory_space<hbm>> -> memref<50000x128xf32, #tpu.memory_space<hbm>>
    %dma_wait3A_103 = arith.constant 0 : i32
    %dma_wait3A_104 = arith.constant 0 : i32
    %dma_wait3A_105 = tpu.memref_slice %dma_wait3A_102[%dma_wait3A_103, %dma_wait3A_104] : memref<50000x128xf32, #tpu.memory_space<hbm>> -> memref<128x128xf32, #tpu.memory_space<hbm>>
    tpu.wait_dma2 semaphore(%arg11 : memref<!tpu.dma_semaphore, #tpu.memory_space<semaphore_mem>>) src(%dma_wait3A_105 : memref<128x128xf32, #tpu.memory_space<hbm>>) dst(%dma_wait3A_98 : memref<128x128xf32, #tpu.memory_space<vmem>>)
    %add3A_106 = arith.constant 12160 : i32
    %add3A_107 = arith.addi %multiple_of3A, %add3A_106 : i32
    %dma_start3A_108 = arith.constant 0 : i32
    %dma_start3A_109 = arith.constant 0 : i32
    %dma_start3A_110 = tpu.memref_slice %arg8[%dma_start3A_108, %dma_start3A_109] : memref<128x128xf32, #tpu.memory_space<vmem>> -> memref<128x128xf32, #tpu.memory_space<vmem>>
    %dma_start3A_111 = arith.constant 0 : i32
    %dma_start3A_112 = tpu.memref_slice %arg4[%add3A_107, %dma_start3A_111] : memref<400000x128xf32, #tpu.memory_space<hbm>> -> memref<128x128xf32, #tpu.memory_space<hbm>>
    %dma_start3A_113 = arith.constant 0 : i32
    %dma_start3A_114 = tpu.memref_slice %arg4[%add3A_107, %dma_start3A_113] : memref<400000x128xf32, #tpu.memory_space<hbm>> -> memref<128x128xf32, #tpu.memory_space<hbm>>
    %dma_start3A_115 = arith.constant 0 : i32
    %dma_start3A_116 = arith.constant 0 : i32
    %dma_start3A_117 = tpu.memref_slice %arg8[%dma_start3A_115, %dma_start3A_116] : memref<128x128xf32, #tpu.memory_space<vmem>> -> memref<128x128xf32, #tpu.memory_space<vmem>>
    tpu.enqueue_dma source(%dma_start3A_117 : memref<128x128xf32, #tpu.memory_space<vmem>>) target(%dma_start3A_114 : memref<128x128xf32, #tpu.memory_space<hbm>>) target_semaphore(%arg14 : memref<!tpu.dma_semaphore, #tpu.memory_space<semaphore_mem>>)
    %add3A_118 = arith.constant 12032 : i32
    %add3A_119 = arith.addi %multiple_of3A, %add3A_118 : i32
    %dma_wait3A_120 = arith.constant 0 : i32
    %dma_wait3A_121 = arith.constant 0 : i32
    %dma_wait3A_122 = tpu.memref_slice %arg7[%dma_wait3A_120, %dma_wait3A_121] : memref<128x128xf32, #tpu.memory_space<vmem>> -> memref<128x128xf32, #tpu.memory_space<vmem>>
    %dma_wait3A_123 = arith.constant 0 : i32
    %dma_wait3A_124 = tpu.memref_slice %arg4[%add3A_119, %dma_wait3A_123] : memref<400000x128xf32, #tpu.memory_space<hbm>> -> memref<128x128xf32, #tpu.memory_space<hbm>>
    %dma_wait3A_125 = arith.constant 0 : i32
    %dma_wait3A_126 = tpu.memref_slice %arg4[%add3A_119, %dma_wait3A_125] : memref<400000x128xf32, #tpu.memory_space<hbm>> -> memref<128x128xf32, #tpu.memory_space<hbm>>
    %dma_wait3A_127 = arith.constant 0 : i32
    %dma_wait3A_128 = arith.constant 0 : i32
    %dma_wait3A_129 = tpu.memref_slice %arg7[%dma_wait3A_127, %dma_wait3A_128] : memref<128x128xf32, #tpu.memory_space<vmem>> -> memref<128x128xf32, #tpu.memory_space<vmem>>
    tpu.wait_dma2 semaphore(%arg13 : memref<!tpu.dma_semaphore, #tpu.memory_space<semaphore_mem>>) src(%dma_wait3A_129 : memref<128x128xf32, #tpu.memory_space<vmem>>) dst(%dma_wait3A_126 : memref<128x128xf32, #tpu.memory_space<hbm>>)
    %convert_element_type3A_130 = arith.extui %eq3A_56 : i1 to i32
    %cond3A_131 = arith.constant 0 : i32
    %cond3A_132 = arith.cmpi ne, %convert_element_type3A_130, %cond3A_131 : i32
    scf.if %cond3A_132 {
      %dma_start3A_137 = arith.constant 0 : i32
      %dma_start3A_138 = arith.constant 0 : i32
      %dma_start3A_139 = tpu.memref_slice %arg7[%dma_start3A_137, %dma_start3A_138] : memref<128x128xf32, #tpu.memory_space<vmem>> -> memref<88x128xf32, #tpu.memory_space<vmem>>
      %dma_start3A_140 = arith.constant 12416 : i32
      %dma_start3A_141 = tpu.memref_slice %arg5[%dma_start3A_140] : memref<12504xi32, #tpu.memory_space<vmem>> -> memref<88xi32, #tpu.memory_space<vmem>>
      %dma_start3A_142 = arith.constant 0 : i32
      %dma_start3A_143 = arith.constant 0 : i32
      %dma_start3A_144 = tpu.memref_slice %arg3[%select_n3A, %dma_start3A_142, %dma_start3A_143] : memref<4x50000x128xf32, #tpu.memory_space<hbm>> -> memref<1x50000x128xf32, #tpu.memory_space<hbm>>
      %dma_start3A_145 = tpu.memref_squeeze %dma_start3A_144 : memref<1x50000x128xf32, #tpu.memory_space<hbm>> -> memref<50000x128xf32, #tpu.memory_space<hbm>>
      %dma_start3A_146 = arith.constant 0 : i32
      %dma_start3A_147 = arith.constant 0 : i32
      %dma_start3A_148 = tpu.memref_slice %dma_start3A_145[%dma_start3A_146, %dma_start3A_147] : memref<50000x128xf32, #tpu.memory_space<hbm>> -> memref<50000x128xf32, #tpu.memory_space<hbm>>
      tpu.enqueue_indirect_dma source(%dma_start3A_148 : memref<50000x128xf32, #tpu.memory_space<hbm>>) target(%dma_start3A_139 : memref<88x128xf32, #tpu.memory_space<vmem>>) offsets(%dma_start3A_141 : memref<88xi32, #tpu.memory_space<vmem>>) semaphore(%arg10 : memref<!tpu.dma_semaphore, #tpu.memory_space<semaphore_mem>>)
      %dma_wait3A_149 = arith.constant 0 : i32
      %dma_wait3A_150 = arith.constant 0 : i32
      %dma_wait3A_151 = arith.constant 0 : i32
      %dma_wait3A_152 = tpu.memref_slice %arg6[%dma_wait3A_150, %dma_wait3A_151] : memref<128x128xf32, #tpu.memory_space<vmem>> -> memref<128x128xf32, #tpu.memory_space<vmem>>
      %dma_wait3A_153 = arith.constant 0 : i32
      %dma_wait3A_154 = arith.constant 0 : i32
      %dma_wait3A_155 = tpu.memref_slice %arg3[%dma_wait3A_149, %dma_wait3A_153, %dma_wait3A_154] : memref<4x50000x128xf32, #tpu.memory_space<hbm>> -> memref<1x50000x128xf32, #tpu.memory_space<hbm>>
      %dma_wait3A_156 = tpu.memref_squeeze %dma_wait3A_155 : memref<1x50000x128xf32, #tpu.memory_space<hbm>> -> memref<50000x128xf32, #tpu.memory_space<hbm>>
      %dma_wait3A_157 = arith.constant 0 : i32
      %dma_wait3A_158 = arith.constant 0 : i32
      %dma_wait3A_159 = tpu.memref_slice %dma_wait3A_156[%dma_wait3A_157, %dma_wait3A_158] : memref<50000x128xf32, #tpu.memory_space<hbm>> -> memref<128x128xf32, #tpu.memory_space<hbm>>
      %dma_wait3A_160 = arith.constant 0 : i32
      %dma_wait3A_161 = arith.constant 0 : i32
      %dma_wait3A_162 = tpu.memref_slice %arg6[%dma_wait3A_160, %dma_wait3A_161] : memref<128x128xf32, #tpu.memory_space<vmem>> -> memref<128x128xf32, #tpu.memory_space<vmem>>
      %dma_wait3A_163 = arith.constant 0 : i32
      %dma_wait3A_164 = arith.constant 0 : i32
      %dma_wait3A_165 = tpu.memref_slice %arg3[%dma_wait3A_149, %dma_wait3A_163, %dma_wait3A_164] : memref<4x50000x128xf32, #tpu.memory_space<hbm>> -> memref<1x50000x128xf32, #tpu.memory_space<hbm>>
      %dma_wait3A_166 = tpu.memref_squeeze %dma_wait3A_165 : memref<1x50000x128xf32, #tpu.memory_space<hbm>> -> memref<50000x128xf32, #tpu.memory_space<hbm>>
      %dma_wait3A_167 = arith.constant 0 : i32
      %dma_wait3A_168 = arith.constant 0 : i32
      %dma_wait3A_169 = tpu.memref_slice %dma_wait3A_166[%dma_wait3A_167, %dma_wait3A_168] : memref<50000x128xf32, #tpu.memory_space<hbm>> -> memref<128x128xf32, #tpu.memory_space<hbm>>
      tpu.wait_dma2 semaphore(%arg9 : memref<!tpu.dma_semaphore, #tpu.memory_space<semaphore_mem>>) src(%dma_wait3A_169 : memref<128x128xf32, #tpu.memory_space<hbm>>) dst(%dma_wait3A_162 : memref<128x128xf32, #tpu.memory_space<vmem>>)
      %add3A_170 = arith.constant 12288 : i32
      %add3A_171 = arith.addi %multiple_of3A, %add3A_170 : i32
      %dma_start3A_172 = arith.constant 0 : i32
      %dma_start3A_173 = arith.constant 0 : i32
      %dma_start3A_174 = tpu.memref_slice %arg6[%dma_start3A_172, %dma_start3A_173] : memref<128x128xf32, #tpu.memory_space<vmem>> -> memref<128x128xf32, #tpu.memory_space<vmem>>
      %dma_start3A_175 = arith.constant 0 : i32
      %dma_start3A_176 = tpu.memref_slice %arg4[%add3A_171, %dma_start3A_175] : memref<400000x128xf32, #tpu.memory_space<hbm>> -> memref<128x128xf32, #tpu.memory_space<hbm>>
      %dma_start3A_177 = arith.constant 0 : i32
      %dma_start3A_178 = tpu.memref_slice %arg4[%add3A_171, %dma_start3A_177] : memref<400000x128xf32, #tpu.memory_space<hbm>> -> memref<128x128xf32, #tpu.memory_space<hbm>>
      %dma_start3A_179 = arith.constant 0 : i32
      %dma_start3A_180 = arith.constant 0 : i32
      %dma_start3A_181 = tpu.memref_slice %arg6[%dma_start3A_179, %dma_start3A_180] : memref<128x128xf32, #tpu.memory_space<vmem>> -> memref<128x128xf32, #tpu.memory_space<vmem>>
      tpu.enqueue_dma source(%dma_start3A_181 : memref<128x128xf32, #tpu.memory_space<vmem>>) target(%dma_start3A_178 : memref<128x128xf32, #tpu.memory_space<hbm>>) target_semaphore(%arg12 : memref<!tpu.dma_semaphore, #tpu.memory_space<semaphore_mem>>)
      %dma_wait3A_182 = arith.constant 0 : i32
      %dma_wait3A_183 = arith.constant 0 : i32
      %dma_wait3A_184 = arith.constant 0 : i32
      %dma_wait3A_185 = tpu.memref_slice %arg7[%dma_wait3A_183, %dma_wait3A_184] : memref<128x128xf32, #tpu.memory_space<vmem>> -> memref<88x128xf32, #tpu.memory_space<vmem>>
      %dma_wait3A_186 = arith.constant 0 : i32
      %dma_wait3A_187 = arith.constant 0 : i32
      %dma_wait3A_188 = tpu.memref_slice %arg3[%dma_wait3A_182, %dma_wait3A_186, %dma_wait3A_187] : memref<4x50000x128xf32, #tpu.memory_space<hbm>> -> memref<1x50000x128xf32, #tpu.memory_space<hbm>>
      %dma_wait3A_189 = tpu.memref_squeeze %dma_wait3A_188 : memref<1x50000x128xf32, #tpu.memory_space<hbm>> -> memref<50000x128xf32, #tpu.memory_space<hbm>>
      %dma_wait3A_190 = arith.constant 0 : i32
      %dma_wait3A_191 = arith.constant 0 : i32
      %dma_wait3A_192 = tpu.memref_slice %dma_wait3A_189[%dma_wait3A_190, %dma_wait3A_191] : memref<50000x128xf32, #tpu.memory_space<hbm>> -> memref<88x128xf32, #tpu.memory_space<hbm>>
      %dma_wait3A_193 = arith.constant 0 : i32
      %dma_wait3A_194 = arith.constant 0 : i32
      %dma_wait3A_195 = tpu.memref_slice %arg7[%dma_wait3A_193, %dma_wait3A_194] : memref<128x128xf32, #tpu.memory_space<vmem>> -> memref<88x128xf32, #tpu.memory_space<vmem>>
      %dma_wait3A_196 = arith.constant 0 : i32
      %dma_wait3A_197 = arith.constant 0 : i32
      %dma_wait3A_198 = tpu.memref_slice %arg3[%dma_wait3A_182, %dma_wait3A_196, %dma_wait3A_197] : memref<4x50000x128xf32, #tpu.memory_space<hbm>> -> memref<1x50000x128xf32, #tpu.memory_space<hbm>>
      %dma_wait3A_199 = tpu.memref_squeeze %dma_wait3A_198 : memref<1x50000x128xf32, #tpu.memory_space<hbm>> -> memref<50000x128xf32, #tpu.memory_space<hbm>>
      %dma_wait3A_200 = arith.constant 0 : i32
      %dma_wait3A_201 = arith.constant 0 : i32
      %dma_wait3A_202 = tpu.memref_slice %dma_wait3A_199[%dma_wait3A_200, %dma_wait3A_201] : memref<50000x128xf32, #tpu.memory_space<hbm>> -> memref<88x128xf32, #tpu.memory_space<hbm>>
      tpu.wait_dma2 semaphore(%arg10 : memref<!tpu.dma_semaphore, #tpu.memory_space<semaphore_mem>>) src(%dma_wait3A_202 : memref<88x128xf32, #tpu.memory_space<hbm>>) dst(%dma_wait3A_195 : memref<88x128xf32, #tpu.memory_space<vmem>>)
      %add3A_203 = arith.constant 12416 : i32
      %add3A_204 = arith.addi %multiple_of3A, %add3A_203 : i32
      %dma_start3A_205 = arith.constant 0 : i32
      %dma_start3A_206 = arith.constant 0 : i32
      %dma_start3A_207 = tpu.memref_slice %arg7[%dma_start3A_205, %dma_start3A_206] : memref<128x128xf32, #tpu.memory_space<vmem>> -> memref<88x128xf32, #tpu.memory_space<vmem>>
      %dma_start3A_208 = arith.constant 0 : i32
      %dma_start3A_209 = tpu.memref_slice %arg4[%add3A_204, %dma_start3A_208] : memref<400000x128xf32, #tpu.memory_space<hbm>> -> memref<88x128xf32, #tpu.memory_space<hbm>>
      %dma_start3A_210 = arith.constant 0 : i32
      %dma_start3A_211 = tpu.memref_slice %arg4[%add3A_204, %dma_start3A_210] : memref<400000x128xf32, #tpu.memory_space<hbm>> -> memref<88x128xf32, #tpu.memory_space<hbm>>
      %dma_start3A_212 = arith.constant 0 : i32
      %dma_start3A_213 = arith.constant 0 : i32
      %dma_start3A_214 = tpu.memref_slice %arg7[%dma_start3A_212, %dma_start3A_213] : memref<128x128xf32, #tpu.memory_space<vmem>> -> memref<88x128xf32, #tpu.memory_space<vmem>>
      tpu.enqueue_dma source(%dma_start3A_214 : memref<88x128xf32, #tpu.memory_space<vmem>>) target(%dma_start3A_211 : memref<88x128xf32, #tpu.memory_space<hbm>>) target_semaphore(%arg13 : memref<!tpu.dma_semaphore, #tpu.memory_space<semaphore_mem>>)
      %add3A_215 = arith.constant 12160 : i32
      %add3A_216 = arith.addi %multiple_of3A, %add3A_215 : i32
      %dma_wait3A_217 = arith.constant 0 : i32
      %dma_wait3A_218 = arith.constant 0 : i32
      %dma_wait3A_219 = tpu.memref_slice %arg8[%dma_wait3A_217, %dma_wait3A_218] : memref<128x128xf32, #tpu.memory_space<vmem>> -> memref<128x128xf32, #tpu.memory_space<vmem>>
      %dma_wait3A_220 = arith.constant 0 : i32
      %dma_wait3A_221 = tpu.memref_slice %arg4[%add3A_216, %dma_wait3A_220] : memref<400000x128xf32, #tpu.memory_space<hbm>> -> memref<128x128xf32, #tpu.memory_space<hbm>>
      %dma_wait3A_222 = arith.constant 0 : i32
      %dma_wait3A_223 = tpu.memref_slice %arg4[%add3A_216, %dma_wait3A_222] : memref<400000x128xf32, #tpu.memory_space<hbm>> -> memref<128x128xf32, #tpu.memory_space<hbm>>
      %dma_wait3A_224 = arith.constant 0 : i32
      %dma_wait3A_225 = arith.constant 0 : i32
      %dma_wait3A_226 = tpu.memref_slice %arg8[%dma_wait3A_224, %dma_wait3A_225] : memref<128x128xf32, #tpu.memory_space<vmem>> -> memref<128x128xf32, #tpu.memory_space<vmem>>
      tpu.wait_dma2 semaphore(%arg14 : memref<!tpu.dma_semaphore, #tpu.memory_space<semaphore_mem>>) src(%dma_wait3A_226 : memref<128x128xf32, #tpu.memory_space<vmem>>) dst(%dma_wait3A_223 : memref<128x128xf32, #tpu.memory_space<hbm>>)
      %add3A_227 = arith.constant 12288 : i32
      %add3A_228 = arith.addi %multiple_of3A, %add3A_227 : i32
      %dma_wait3A_229 = arith.constant 0 : i32
      %dma_wait3A_230 = arith.constant 0 : i32
      %dma_wait3A_231 = tpu.memref_slice %arg6[%dma_wait3A_229, %dma_wait3A_230] : memref<128x128xf32, #tpu.memory_space<vmem>> -> memref<128x128xf32, #tpu.memory_space<vmem>>
      %dma_wait3A_232 = arith.constant 0 : i32
      %dma_wait3A_233 = tpu.memref_slice %arg4[%add3A_228, %dma_wait3A_232] : memref<400000x128xf32, #tpu.memory_space<hbm>> -> memref<128x128xf32, #tpu.memory_space<hbm>>
      %dma_wait3A_234 = arith.constant 0 : i32
      %dma_wait3A_235 = tpu.memref_slice %arg4[%add3A_228, %dma_wait3A_234] : memref<400000x128xf32, #tpu.memory_space<hbm>> -> memref<128x128xf32, #tpu.memory_space<hbm>>
      %dma_wait3A_236 = arith.constant 0 : i32
      %dma_wait3A_237 = arith.constant 0 : i32
      %dma_wait3A_238 = tpu.memref_slice %arg6[%dma_wait3A_236, %dma_wait3A_237] : memref<128x128xf32, #tpu.memory_space<vmem>> -> memref<128x128xf32, #tpu.memory_space<vmem>>
      tpu.wait_dma2 semaphore(%arg12 : memref<!tpu.dma_semaphore, #tpu.memory_space<semaphore_mem>>) src(%dma_wait3A_238 : memref<128x128xf32, #tpu.memory_space<vmem>>) dst(%dma_wait3A_235 : memref<128x128xf32, #tpu.memory_space<hbm>>)
      %add3A_239 = arith.constant 12416 : i32
      %add3A_240 = arith.addi %multiple_of3A, %add3A_239 : i32
      %dma_wait3A_241 = arith.constant 0 : i32
      %dma_wait3A_242 = arith.constant 0 : i32
      %dma_wait3A_243 = tpu.memref_slice %arg7[%dma_wait3A_241, %dma_wait3A_242] : memref<128x128xf32, #tpu.memory_space<vmem>> -> memref<88x128xf32, #tpu.memory_space<vmem>>
      %dma_wait3A_244 = arith.constant 0 : i32
      %dma_wait3A_245 = tpu.memref_slice %arg4[%add3A_240, %dma_wait3A_244] : memref<400000x128xf32, #tpu.memory_space<hbm>> -> memref<88x128xf32, #tpu.memory_space<hbm>>
      %dma_wait3A_246 = arith.constant 0 : i32
      %dma_wait3A_247 = tpu.memref_slice %arg4[%add3A_240, %dma_wait3A_246] : memref<400000x128xf32, #tpu.memory_space<hbm>> -> memref<88x128xf32, #tpu.memory_space<hbm>>
      %dma_wait3A_248 = arith.constant 0 : i32
      %dma_wait3A_249 = arith.constant 0 : i32
      %dma_wait3A_250 = tpu.memref_slice %arg7[%dma_wait3A_248, %dma_wait3A_249] : memref<128x128xf32, #tpu.memory_space<vmem>> -> memref<88x128xf32, #tpu.memory_space<vmem>>
      tpu.wait_dma2 semaphore(%arg13 : memref<!tpu.dma_semaphore, #tpu.memory_space<semaphore_mem>>) src(%dma_wait3A_250 : memref<88x128xf32, #tpu.memory_space<vmem>>) dst(%dma_wait3A_247 : memref<88x128xf32, #tpu.memory_space<hbm>>)
    } else {
    }
    %not3A = arith.constant true
    %not3A_133 = arith.xori %eq3A_56, %not3A : i1
    %convert_element_type3A_134 = arith.extui %not3A_133 : i1 to i32
    %cond3A_135 = arith.constant 0 : i32
    %cond3A_136 = arith.cmpi ne, %convert_element_type3A_134, %cond3A_135 : i32
    scf.if %cond3A_136 {
      %dma_start3A_137 = arith.constant 0 : i32
      %dma_start3A_138 = arith.constant 0 : i32
      %dma_start3A_139 = tpu.memref_slice %arg7[%dma_start3A_137, %dma_start3A_138] : memref<128x128xf32, #tpu.memory_space<vmem>> -> memref<80x128xf32, #tpu.memory_space<vmem>>
      %dma_start3A_140 = arith.constant 12416 : i32
      %dma_start3A_141 = tpu.memref_slice %arg5[%dma_start3A_140] : memref<12504xi32, #tpu.memory_space<vmem>> -> memref<80xi32, #tpu.memory_space<vmem>>
      %dma_start3A_142 = arith.constant 0 : i32
      %dma_start3A_143 = arith.constant 0 : i32
      %dma_start3A_144 = tpu.memref_slice %arg3[%select_n3A, %dma_start3A_142, %dma_start3A_143] : memref<4x50000x128xf32, #tpu.memory_space<hbm>> -> memref<1x50000x128xf32, #tpu.memory_space<hbm>>
      %dma_start3A_145 = tpu.memref_squeeze %dma_start3A_144 : memref<1x50000x128xf32, #tpu.memory_space<hbm>> -> memref<50000x128xf32, #tpu.memory_space<hbm>>
      %dma_start3A_146 = arith.constant 0 : i32
      %dma_start3A_147 = arith.constant 0 : i32
      %dma_start3A_148 = tpu.memref_slice %dma_start3A_145[%dma_start3A_146, %dma_start3A_147] : memref<50000x128xf32, #tpu.memory_space<hbm>> -> memref<50000x128xf32, #tpu.memory_space<hbm>>
      tpu.enqueue_indirect_dma source(%dma_start3A_148 : memref<50000x128xf32, #tpu.memory_space<hbm>>) target(%dma_start3A_139 : memref<80x128xf32, #tpu.memory_space<vmem>>) offsets(%dma_start3A_141 : memref<80xi32, #tpu.memory_space<vmem>>) semaphore(%arg10 : memref<!tpu.dma_semaphore, #tpu.memory_space<semaphore_mem>>)
      %dma_wait3A_149 = arith.constant 0 : i32
      %dma_wait3A_150 = arith.constant 0 : i32
      %dma_wait3A_151 = arith.constant 0 : i32
      %dma_wait3A_152 = tpu.memref_slice %arg6[%dma_wait3A_150, %dma_wait3A_151] : memref<128x128xf32, #tpu.memory_space<vmem>> -> memref<128x128xf32, #tpu.memory_space<vmem>>
      %dma_wait3A_153 = arith.constant 0 : i32
      %dma_wait3A_154 = arith.constant 0 : i32
      %dma_wait3A_155 = tpu.memref_slice %arg3[%dma_wait3A_149, %dma_wait3A_153, %dma_wait3A_154] : memref<4x50000x128xf32, #tpu.memory_space<hbm>> -> memref<1x50000x128xf32, #tpu.memory_space<hbm>>
      %dma_wait3A_156 = tpu.memref_squeeze %dma_wait3A_155 : memref<1x50000x128xf32, #tpu.memory_space<hbm>> -> memref<50000x128xf32, #tpu.memory_space<hbm>>
      %dma_wait3A_157 = arith.constant 0 : i32
      %dma_wait3A_158 = arith.constant 0 : i32
      %dma_wait3A_159 = tpu.memref_slice %dma_wait3A_156[%dma_wait3A_157, %dma_wait3A_158] : memref<50000x128xf32, #tpu.memory_space<hbm>> -> memref<128x128xf32, #tpu.memory_space<hbm>>
      %dma_wait3A_160 = arith.constant 0 : i32
      %dma_wait3A_161 = arith.constant 0 : i32
      %dma_wait3A_162 = tpu.memref_slice %arg6[%dma_wait3A_160, %dma_wait3A_161] : memref<128x128xf32, #tpu.memory_space<vmem>> -> memref<128x128xf32, #tpu.memory_space<vmem>>
      %dma_wait3A_163 = arith.constant 0 : i32
      %dma_wait3A_164 = arith.constant 0 : i32
      %dma_wait3A_165 = tpu.memref_slice %arg3[%dma_wait3A_149, %dma_wait3A_163, %dma_wait3A_164] : memref<4x50000x128xf32, #tpu.memory_space<hbm>> -> memref<1x50000x128xf32, #tpu.memory_space<hbm>>
      %dma_wait3A_166 = tpu.memref_squeeze %dma_wait3A_165 : memref<1x50000x128xf32, #tpu.memory_space<hbm>> -> memref<50000x128xf32, #tpu.memory_space<hbm>>
      %dma_wait3A_167 = arith.constant 0 : i32
      %dma_wait3A_168 = arith.constant 0 : i32
      %dma_wait3A_169 = tpu.memref_slice %dma_wait3A_166[%dma_wait3A_167, %dma_wait3A_168] : memref<50000x128xf32, #tpu.memory_space<hbm>> -> memref<128x128xf32, #tpu.memory_space<hbm>>
      tpu.wait_dma2 semaphore(%arg9 : memref<!tpu.dma_semaphore, #tpu.memory_space<semaphore_mem>>) src(%dma_wait3A_169 : memref<128x128xf32, #tpu.memory_space<hbm>>) dst(%dma_wait3A_162 : memref<128x128xf32, #tpu.memory_space<vmem>>)
      %add3A_170 = arith.constant 12288 : i32
      %add3A_171 = arith.addi %multiple_of3A, %add3A_170 : i32
      %dma_start3A_172 = arith.constant 0 : i32
      %dma_start3A_173 = arith.constant 0 : i32
      %dma_start3A_174 = tpu.memref_slice %arg6[%dma_start3A_172, %dma_start3A_173] : memref<128x128xf32, #tpu.memory_space<vmem>> -> memref<128x128xf32, #tpu.memory_space<vmem>>
      %dma_start3A_175 = arith.constant 0 : i32
      %dma_start3A_176 = tpu.memref_slice %arg4[%add3A_171, %dma_start3A_175] : memref<400000x128xf32, #tpu.memory_space<hbm>> -> memref<128x128xf32, #tpu.memory_space<hbm>>
      %dma_start3A_177 = arith.constant 0 : i32
      %dma_start3A_178 = tpu.memref_slice %arg4[%add3A_171, %dma_start3A_177] : memref<400000x128xf32, #tpu.memory_space<hbm>> -> memref<128x128xf32, #tpu.memory_space<hbm>>
      %dma_start3A_179 = arith.constant 0 : i32
      %dma_start3A_180 = arith.constant 0 : i32
      %dma_start3A_181 = tpu.memref_slice %arg6[%dma_start3A_179, %dma_start3A_180] : memref<128x128xf32, #tpu.memory_space<vmem>> -> memref<128x128xf32, #tpu.memory_space<vmem>>
      tpu.enqueue_dma source(%dma_start3A_181 : memref<128x128xf32, #tpu.memory_space<vmem>>) target(%dma_start3A_178 : memref<128x128xf32, #tpu.memory_space<hbm>>) target_semaphore(%arg12 : memref<!tpu.dma_semaphore, #tpu.memory_space<semaphore_mem>>)
      %dma_wait3A_182 = arith.constant 0 : i32
      %dma_wait3A_183 = arith.constant 0 : i32
      %dma_wait3A_184 = arith.constant 0 : i32
      %dma_wait3A_185 = tpu.memref_slice %arg7[%dma_wait3A_183, %dma_wait3A_184] : memref<128x128xf32, #tpu.memory_space<vmem>> -> memref<80x128xf32, #tpu.memory_space<vmem>>
      %dma_wait3A_186 = arith.constant 0 : i32
      %dma_wait3A_187 = arith.constant 0 : i32
      %dma_wait3A_188 = tpu.memref_slice %arg3[%dma_wait3A_182, %dma_wait3A_186, %dma_wait3A_187] : memref<4x50000x128xf32, #tpu.memory_space<hbm>> -> memref<1x50000x128xf32, #tpu.memory_space<hbm>>
      %dma_wait3A_189 = tpu.memref_squeeze %dma_wait3A_188 : memref<1x50000x128xf32, #tpu.memory_space<hbm>> -> memref<50000x128xf32, #tpu.memory_space<hbm>>
      %dma_wait3A_190 = arith.constant 0 : i32
      %dma_wait3A_191 = arith.constant 0 : i32
      %dma_wait3A_192 = tpu.memref_slice %dma_wait3A_189[%dma_wait3A_190, %dma_wait3A_191] : memref<50000x128xf32, #tpu.memory_space<hbm>> -> memref<80x128xf32, #tpu.memory_space<hbm>>
      %dma_wait3A_193 = arith.constant 0 : i32
      %dma_wait3A_194 = arith.constant 0 : i32
      %dma_wait3A_195 = tpu.memref_slice %arg7[%dma_wait3A_193, %dma_wait3A_194] : memref<128x128xf32, #tpu.memory_space<vmem>> -> memref<80x128xf32, #tpu.memory_space<vmem>>
      %dma_wait3A_196 = arith.constant 0 : i32
      %dma_wait3A_197 = arith.constant 0 : i32
      %dma_wait3A_198 = tpu.memref_slice %arg3[%dma_wait3A_182, %dma_wait3A_196, %dma_wait3A_197] : memref<4x50000x128xf32, #tpu.memory_space<hbm>> -> memref<1x50000x128xf32, #tpu.memory_space<hbm>>
      %dma_wait3A_199 = tpu.memref_squeeze %dma_wait3A_198 : memref<1x50000x128xf32, #tpu.memory_space<hbm>> -> memref<50000x128xf32, #tpu.memory_space<hbm>>
      %dma_wait3A_200 = arith.constant 0 : i32
      %dma_wait3A_201 = arith.constant 0 : i32
      %dma_wait3A_202 = tpu.memref_slice %dma_wait3A_199[%dma_wait3A_200, %dma_wait3A_201] : memref<50000x128xf32, #tpu.memory_space<hbm>> -> memref<80x128xf32, #tpu.memory_space<hbm>>
      tpu.wait_dma2 semaphore(%arg10 : memref<!tpu.dma_semaphore, #tpu.memory_space<semaphore_mem>>) src(%dma_wait3A_202 : memref<80x128xf32, #tpu.memory_space<hbm>>) dst(%dma_wait3A_195 : memref<80x128xf32, #tpu.memory_space<vmem>>)
      %add3A_203 = arith.constant 12416 : i32
      %add3A_204 = arith.addi %multiple_of3A, %add3A_203 : i32
      %dma_start3A_205 = arith.constant 0 : i32
      %dma_start3A_206 = arith.constant 0 : i32
      %dma_start3A_207 = tpu.memref_slice %arg7[%dma_start3A_205, %dma_start3A_206] : memref<128x128xf32, #tpu.memory_space<vmem>> -> memref<80x128xf32, #tpu.memory_space<vmem>>
      %dma_start3A_208 = arith.constant 0 : i32
      %dma_start3A_209 = tpu.memref_slice %arg4[%add3A_204, %dma_start3A_208] : memref<400000x128xf32, #tpu.memory_space<hbm>> -> memref<80x128xf32, #tpu.memory_space<hbm>>
      %dma_start3A_210 = arith.constant 0 : i32
      %dma_start3A_211 = tpu.memref_slice %arg4[%add3A_204, %dma_start3A_210] : memref<400000x128xf32, #tpu.memory_space<hbm>> -> memref<80x128xf32, #tpu.memory_space<hbm>>
      %dma_start3A_212 = arith.constant 0 : i32
      %dma_start3A_213 = arith.constant 0 : i32
      %dma_start3A_214 = tpu.memref_slice %arg7[%dma_start3A_212, %dma_start3A_213] : memref<128x128xf32, #tpu.memory_space<vmem>> -> memref<80x128xf32, #tpu.memory_space<vmem>>
      tpu.enqueue_dma source(%dma_start3A_214 : memref<80x128xf32, #tpu.memory_space<vmem>>) target(%dma_start3A_211 : memref<80x128xf32, #tpu.memory_space<hbm>>) target_semaphore(%arg13 : memref<!tpu.dma_semaphore, #tpu.memory_space<semaphore_mem>>)
      %add3A_215 = arith.constant 12160 : i32
      %add3A_216 = arith.addi %multiple_of3A, %add3A_215 : i32
      %dma_wait3A_217 = arith.constant 0 : i32
      %dma_wait3A_218 = arith.constant 0 : i32
      %dma_wait3A_219 = tpu.memref_slice %arg8[%dma_wait3A_217, %dma_wait3A_218] : memref<128x128xf32, #tpu.memory_space<vmem>> -> memref<128x128xf32, #tpu.memory_space<vmem>>
      %dma_wait3A_220 = arith.constant 0 : i32
      %dma_wait3A_221 = tpu.memref_slice %arg4[%add3A_216, %dma_wait3A_220] : memref<400000x128xf32, #tpu.memory_space<hbm>> -> memref<128x128xf32, #tpu.memory_space<hbm>>
      %dma_wait3A_222 = arith.constant 0 : i32
      %dma_wait3A_223 = tpu.memref_slice %arg4[%add3A_216, %dma_wait3A_222] : memref<400000x128xf32, #tpu.memory_space<hbm>> -> memref<128x128xf32, #tpu.memory_space<hbm>>
      %dma_wait3A_224 = arith.constant 0 : i32
      %dma_wait3A_225 = arith.constant 0 : i32
      %dma_wait3A_226 = tpu.memref_slice %arg8[%dma_wait3A_224, %dma_wait3A_225] : memref<128x128xf32, #tpu.memory_space<vmem>> -> memref<128x128xf32, #tpu.memory_space<vmem>>
      tpu.wait_dma2 semaphore(%arg14 : memref<!tpu.dma_semaphore, #tpu.memory_space<semaphore_mem>>) src(%dma_wait3A_226 : memref<128x128xf32, #tpu.memory_space<vmem>>) dst(%dma_wait3A_223 : memref<128x128xf32, #tpu.memory_space<hbm>>)
      %add3A_227 = arith.constant 12288 : i32
      %add3A_228 = arith.addi %multiple_of3A, %add3A_227 : i32
      %dma_wait3A_229 = arith.constant 0 : i32
      %dma_wait3A_230 = arith.constant 0 : i32
      %dma_wait3A_231 = tpu.memref_slice %arg6[%dma_wait3A_229, %dma_wait3A_230] : memref<128x128xf32, #tpu.memory_space<vmem>> -> memref<128x128xf32, #tpu.memory_space<vmem>>
      %dma_wait3A_232 = arith.constant 0 : i32
      %dma_wait3A_233 = tpu.memref_slice %arg4[%add3A_228, %dma_wait3A_232] : memref<400000x128xf32, #tpu.memory_space<hbm>> -> memref<128x128xf32, #tpu.memory_space<hbm>>
      %dma_wait3A_234 = arith.constant 0 : i32
      %dma_wait3A_235 = tpu.memref_slice %arg4[%add3A_228, %dma_wait3A_234] : memref<400000x128xf32, #tpu.memory_space<hbm>> -> memref<128x128xf32, #tpu.memory_space<hbm>>
      %dma_wait3A_236 = arith.constant 0 : i32
      %dma_wait3A_237 = arith.constant 0 : i32
      %dma_wait3A_238 = tpu.memref_slice %arg6[%dma_wait3A_236, %dma_wait3A_237] : memref<128x128xf32, #tpu.memory_space<vmem>> -> memref<128x128xf32, #tpu.memory_space<vmem>>
      tpu.wait_dma2 semaphore(%arg12 : memref<!tpu.dma_semaphore, #tpu.memory_space<semaphore_mem>>) src(%dma_wait3A_238 : memref<128x128xf32, #tpu.memory_space<vmem>>) dst(%dma_wait3A_235 : memref<128x128xf32, #tpu.memory_space<hbm>>)
      %add3A_239 = arith.constant 12416 : i32
      %add3A_240 = arith.addi %multiple_of3A, %add3A_239 : i32
      %dma_wait3A_241 = arith.constant 0 : i32
      %dma_wait3A_242 = arith.constant 0 : i32
      %dma_wait3A_243 = tpu.memref_slice %arg7[%dma_wait3A_241, %dma_wait3A_242] : memref<128x128xf32, #tpu.memory_space<vmem>> -> memref<80x128xf32, #tpu.memory_space<vmem>>
      %dma_wait3A_244 = arith.constant 0 : i32
      %dma_wait3A_245 = tpu.memref_slice %arg4[%add3A_240, %dma_wait3A_244] : memref<400000x128xf32, #tpu.memory_space<hbm>> -> memref<80x128xf32, #tpu.memory_space<hbm>>
      %dma_wait3A_246 = arith.constant 0 : i32
      %dma_wait3A_247 = tpu.memref_slice %arg4[%add3A_240, %dma_wait3A_246] : memref<400000x128xf32, #tpu.memory_space<hbm>> -> memref<80x128xf32, #tpu.memory_space<hbm>>
      %dma_wait3A_248 = arith.constant 0 : i32
      %dma_wait3A_249 = arith.constant 0 : i32
      %dma_wait3A_250 = tpu.memref_slice %arg7[%dma_wait3A_248, %dma_wait3A_249] : memref<128x128xf32, #tpu.memory_space<vmem>> -> memref<80x128xf32, #tpu.memory_space<vmem>>
      tpu.wait_dma2 semaphore(%arg13 : memref<!tpu.dma_semaphore, #tpu.memory_space<semaphore_mem>>) src(%dma_wait3A_250 : memref<80x128xf32, #tpu.memory_space<vmem>>) dst(%dma_wait3A_247 : memref<80x128xf32, #tpu.memory_space<hbm>>)
    } else {
    }
    return
  }
}

</mosaic_0001>

<sc_bundles>
// kernel: kernel.3.cloned.1.call-start
scs
__scs_entry_jumppad:
0x0: {  	(pc) =	sbr.rel $0x88, $3  }
0x1: {  	(tag) =	ssettag $0x0;
	lr =	simm.s32 $0x1  }
0x2: {  	[smem:$0x3F9F] =	sst lr;
	_ =	strace $0xD0000000  }
0x3: {  	_ = 	snop  }
0x4: {  	_ = 	snop  }
0x5: {  	_ = 	snop  }
0x6: {  	_ = 	snop  }
0x7: {  	_ = 	snop  }
__scs_overlays_trampoline_lowered:
0x8: {  	[smem:$0x3FAE] =	sst s0  }
0x9: {  	[smem:$0x3FAF] =	sst s1  }
0xa: {  	[smem:$0x3FB0] =	sst s2  }
0xb: {  	[smem:$0x3FB1] =	sst s3  }
0xc: {  	[smem:$0x3FB2] =	sst s4  }
0xd: {  	[smem:$0x3FB3] =	sst s5  }
0xe: {  	[smem:$0x3FB4] =	sst s6  }
0xf: {  	[smem:$0x3FB5] =	sst s7  }
0x10: {  	[smem:$0x3FB6] =	sst s8  }
0x11: {  	[smem:$0x3FB7] =	sst s9;
	s0 =	simm.s32 @!p0 $0x0  }
0x12: {  	s1 =	sld [smem:$0x3F9D];
	s0 =	simm.s32 @p0 $0x1  }
0x13: {  	[smem:$0x3FB8] =	sst s0;
	s0 =	simm.s32 @!p1 $0x0  }
0x14: {  	s2 =	sld [smem:$0x3F9C];
	s0 =	simm.s32 @p1 $0x1  }
0x15: {  	[smem:$0x3FB9] =	sst s0;
	s0 =	simm.s32 @!p2 $0x0  }
0x16: {  	s3 =	sld [smem:$0x3FDB];
	s0 =	simm.s32 @p2 $0x1  }
0x17: {  	s4 =	simm.s32 $0x1BF5;
	[smem:$0x3FBB] =	sst s0  }
0x18: {  	s0 =	sld [smem:$0x3F9E];
	_ =	swait.ge [sflag:s4], $0x0  }
0x19: {  	s7 =	sld [smem:$0x3F9F]  }
0x1a: {  	s8 =	sadd.s32 $0xFFFFE003, lr  }
0x1b: {  	s9 =	sadd.s32 $0xFFFFFEF7, lr;
	s5 =	simm.s32 $0xFFFFFFFF;
	p2 =	slt.u32 s8, $0xFFFFF086  }
0x1c: {  	p1 =	slt.u32 s9, $0xF7A;
	s5 =	simm.s32 @!p2 $0x0  }
0x1d: {  	s5 =	simm.s32 @p1 $0x1;
	p0 =	seq.s32 s7, s2  }
0x1e: {  	s7 =	smul.u32 @!p0 $0xF7A, s2;
	p2 =	seq.s32 @!p0 s5, $0x0  }
0x1f: {  	s9 =	smul.u32 $0xF7A, s1;
	s8 =	simm.s32 @!p0 $0x1BF5;
	p2 =	por !p2, p0  }
0x20: {  	[sflag:s8] =	ssyncset.s32 @!p0 $0xFFFFF086;
	s6 =	sadd.s32 @!p0 s3, s7;
	s7 =	simm.s32 @!p0 $0x108  }
0x21: {  	s3 =	sadd.s32 s3, s9;
	s6 =	sadd.s32 @!p0 $0x88, s6;
	s7 =	simm.s32 @p2 $0x1082  }
0x22: {  	[simem:s7], [sflag:s8] =	dma.local @!p0 [hbm:s6], $0xF7A  }
0x23: {  	s9 =	sor.u32 $0xD0000000, s2;
	s6 =	simm.s32 $0x108;
	_ =	swait.ge @!p0 [sflag:s8], $0x0  }
0x24: {  	s3 =	sadd.s32 $0x88, s3;
	s6 =	simm.s32 @!p1 $0x1082;
	[sflag:s4] =	ssyncset.s32 $0xFFFFF086  }
0x25: {  	[simem:s6], [sflag:s4] =	dma.local [hbm:s3], $0xF7A  }
0x26: {  	[smem:$0x3F9F] =	sst s1;
	(tag) =	ssettag s2;
	_ =	strace s9  }
0x27: {  	s1 =	sld [smem:$0x3FAF]  }
0x28: {  	s2 =	sld [smem:$0x3FB0]  }
0x29: {  	s4 =	sld [smem:$0x3FB2]  }
0x2a: {  	p0 =	seq.s32 s5, $0x0;
	s5 =	sld [smem:$0x3FB3]  }
0x2b: {  	s6 =	sld [smem:$0x3FB4]  }
0x2c: {  	s7 =	sld [smem:$0x3FB5]  }
0x2d: {  	s3 =	simm.s32 $0x108;
	s8 =	sld [smem:$0x3FB6]  }
0x2e: {  	s3 =	simm.s32 @!p0 $0x1082;
	s9 =	sld [smem:$0x3FB7]  }
0x2f: {  	lr =	sadd.s32 s0, s3;
	s0 =	sld [smem:$0x3FAE]  }
0x30: {  	s3 =	sld [smem:$0x3FB1]  }
0x31: {  	[smem:$0x3FBA] =	sst s10  }
0x32: {  	s10 =	sld [smem:$0x3FB8];
	_ =	sdelay $0x3  }
0x33: {  	p0 =	seq.s32 s10, $0x1;
	s10 =	sld [smem:$0x3FBA];
	_ =	sdelay $0x3  }
0x34: {  	[smem:$0x3FBA] =	sst s10  }
0x35: {  	s10 =	sld [smem:$0x3FB9];
	_ =	sdelay $0x3  }
0x36: {  	p1 =	seq.s32 s10, $0x1;
	s10 =	sld [smem:$0x3FBA];
	_ =	sdelay $0x3  }
0x37: {  	[smem:$0x3FBA] =	sst s10  }
0x38: {  	s10 =	sld [smem:$0x3FBB]  }
0x39: {  	_ = 	snop;
	(pc) =	sbr.ind lr, $3  }
0x3a: {  	_ = 	snop  }
0x3b: {  	_ = 	snop  }
0x3c: {  	p2 =	seq.s32 s10, $0x1;
	s10 =	sld [smem:$0x3FBA]  }
0x3d: {  	_ =	shalt  }
0x3e: {  	_ =	shalt  }
0x3f: {  	_ =	shalt  }
0x40: {  	_ =	shalt  }
0x41: {  	_ =	shalt  }
0x42: {  	_ =	shalt  }
0x43: {  	_ =	shalt  }
0x44: {  	_ =	shalt  }
0x45: {  	_ =	shalt  }
0x46: {  	_ =	shalt  }
0x47: {  	_ =	shalt  }
0x48: {  	_ =	shalt  }
0x49: {  	_ =	shalt  }
0x4a: {  	_ =	shalt  }
0x4b: {  	_ =	shalt  }
0x4c: {  	_ =	shalt  }
0x4d: {  	_ =	shalt  }
0x4e: {  	_ =	shalt  }
0x4f: {  	_ =	shalt  }
0x50: {  	_ =	shalt  }
0x51: {  	_ =	shalt  }
0x52: {  	_ =	shalt  }
0x53: {  	_ =	shalt  }
0x54: {  	_ =	shalt  }
0x55: {  	_ =	shalt  }
0x56: {  	_ =	shalt  }
0x57: {  	_ =	shalt  }
0x58: {  	_ =	shalt  }
0x59: {  	_ =	shalt  }
0x5a: {  	_ =	shalt  }
0x5b: {  	_ =	shalt  }
0x5c: {  	_ =	shalt  }
0x5d: {  	_ =	shalt  }
0x5e: {  	_ =	shalt  }
0x5f: {  	_ =	shalt  }
0x60: {  	_ =	shalt  }
0x61: {  	_ =	shalt  }
0x62: {  	_ =	shalt  }
0x63: {  	_ =	shalt  }
0x64: {  	_ =	shalt  }
0x65: {  	_ =	shalt  }
0x66: {  	_ =	shalt  }
0x67: {  	_ =	shalt  }
0x68: {  	_ =	shalt  }
0x69: {  	_ =	shalt  }
0x6a: {  	_ =	shalt  }
0x6b: {  	_ =	shalt  }
0x6c: {  	_ =	shalt  }
0x6d: {  	_ =	shalt  }
0x6e: {  	_ =	shalt  }
0x6f: {  	_ =	shalt  }
0x70: {  	_ =	shalt  }
0x71: {  	_ =	shalt  }
0x72: {  	_ =	shalt  }
0x73: {  	_ =	shalt  }
0x74: {  	_ =	shalt  }
0x75: {  	_ =	shalt  }
0x76: {  	_ =	shalt  }
0x77: {  	_ =	shalt  }
0x78: {  	_ =	shalt  }
0x79: {  	_ =	shalt  }
0x7a: {  	_ =	shalt  }
0x7b: {  	_ =	shalt  }
0x7c: {  	_ =	shalt  }
0x7d: {  	_ =	shalt  }
0x7e: {  	_ =	shalt  }
0x7f: {  	_ =	shalt  }
0x80: {  	_ =	shalt  }
0x81: {  	_ =	shalt  }
0x82: {  	_ =	shalt  }
0x83: {  	_ =	shalt  }
0x84: {  	_ =	shalt  }
0x85: {  	_ =	shalt  }
0x86: {  	_ =	shalt  }
0x87: {  	_ =	shalt  }
.Lfunc_end0:
.L_simem_size_0:
called_computation_lowered:
.L_overlay_start_0:
0x88: {  	s2 =	sld [smem:$0x3FD9]  }
0x89: {  	s3 =	sld [smem:$0x3FFE];
	_ =	sdelay $0x1  }
0x8a: {  	s1 =	srdreg.scid  }
0x8b: {  	s0 =	sand.u32 $0x1, s1  }
0x8c: {  	s17 =	sshll.u32 s0, $0xA;
	s2 =	sadd.s32 s3, s2  }
0x8d: {  	s2 =	sadd.s32 s2, s17  }
0x8e: {  	[smem:$0x3FC6] =	sst s2  }
0x8f: {  	_ = 	snop  }
0x90: {  	s2 =	sld [smem:$0x3FC8]  }
0x91: {  	s18 =	sld [smem:$0x3FD0];
	(tm) =	ssettm $0x1  }
0x92: {  	s4 =	sld [smem:$0x3FFB];
	_ =	sdelay $0x3  }
0x93: {  	_ =	strace s4  }
0x94: {  	s4 =	sld [smem:$0x3FFC];
	_ =	sdelay $0x3  }
0x95: {  	_ =	strace s4  }
0x96: {  	s4 =	sld [smem:$0x3FFD];
	_ =	sdelay $0x3  }
0x97: {  	_ =	strace s4  }
0x98: {  	_ =	strace $0x8FFFFFFF  }
0x99: {  	s19 =	sld [smem:$0x3FDB];
	_ =	sdelay $0x1  }
0x9a: {  	s5 =	simm.s32 $_scs_section_size  }
0x9b: {  	s6 =	simm.s32 $_size__tile_overlayer_lowered;
	s7 =	simm.s32 $_tile_overlayer_lowered  }
0x9c: {  	s22 =	simm.s32 $0x1BFF;
	s21 =	sshll.u32 s7, $0x1;
	s4 =	sadd.s32 s5, s19  }
0x9d: {  	s8 =	simm.s32 $0x0;
	s20 =	sshll.u32 s6, $0x1;
	s6 =	sadd.s32 s21, s4  }
0x9e: {  	[timem:s8], [sflag:s22] =	dma.local [hbm:s6], s20  }
0x9f: {  	_ =	swait.ge [sflag:s22], s20  }
0xa0: {  	s5 =	ssub.s32 $0x0, s20;
	[sflag:s22] =	ssyncset.done $0x0  }
0xa1: {  	[sflag:s22] =	ssyncadd.s32 s5;
	_ =	sdelay $0x1  }
0xa2: {  	s23 =	simm.s32 $0x1B8B  }
0xa3: {  	_ =	swait.ge [sflag:s23], $0x1  }
0xa4: {  	[sflag:s23] =	ssyncset.done $0x0  }
0xa5: {  	s25 =	simm.s32 $0x1B8E;
	s24 =	sld [smem:$0x3FFE];
	[sflag:s23] =	ssyncadd.s32 $0xFFFFFFFF  }
0xa6: {  	s26 =	simm.s32 $execute0_lowered;
	[smem:$0x3FD2] =	sst s25  }
0xa7: {  	s6 =	sshll.u32 s26, $0x1;
	_ =	strace $0x80000046;
	[dreg:$0x1] =	wrdreg $0xFFFFFFFF  }
0xa8: {  	s28 =	simm.s32 $_size_execute0_lowered;
	s4 =	sadd.s32 s4, s6;
	[dreg:$0x0] =	wrdreg $0x0  }
0xa9: {  	s6 =	sshll.u32 s28, $0x1;
	[dreg:$0x2] =	wrdreg s4  }
0xaa: {  	[dreg:$0x3] =	wrdreg s6  }
0xab: {  	[dreg:$0x4] =	wrdreg $0xC0  }
0xac: {  	_ =	task [dreg:s8], $0x5FFFF  }
0xad: {  	[dreg:$0x1] =	wrdreg $0xFFFFFFFF  }
0xae: {  	[dreg:$0x0] =	wrdreg $0x60  }
0xaf: {  	[dreg:$0x2] =	wrdreg s24  }
0xb0: {  	[dreg:$0x3] =	wrdreg s2  }
0xb1: {  	[dreg:$0x4] =	wrdreg s18  }
0xb2: {  	[dreg:$0x5] =	wrdreg $0x9  }
0xb3: {  	_ =	task.clear_ibuf [dreg:s8], $0x6FFFF;
	_ =	strace $0x90000046  }
0xb4: {  	s29 =	simm.s32 $0x9;
	_ =	strace $0x80000048  }
0xb5: {  	_ =	swait.ge [sflag:s29], $0x1  }
0xb6: {  	[sflag:s29] =	ssyncadd.s32 $0xFFFFFFFF  }
0xb7: {  	_ =	strace $0x90000048  }
0xb8: {  	_ =	sfence  }
0xb9: {  	s30 =	sld [smem:$0x0];
	_ =	sdelay $0x2  }
0xba: {  	s31 =	sshll.u32 s1, $0xD;
	s1 =	sshrl.u32 s1, $0x2  }
0xbb: {  	s3 =	sand.u32 $0x4000, s31;
	s1 =	sadd.s32 s1, s30  }
0xbc: {  	s0 =	sor.u32 s3, s0;
	s1 =	sshll.u32 s1, $0x11  }
0xbd: {  	s0 =	sor.u32 s1, s0  }
0xbe: {  	s0 =	sadd.s32 $0x8F2B, s0  }
0xbf: {  	[sflag:s0] =	ssyncadd.remote.s32 $0x1  }
0xc0: {  	_ =	sfence.sel $0xFFFF  }
0xc1: {  	[dreg:$0x0] =	wrdreg $0xFFFFFFFF;
	(pc) =	sbr.abs _section_cstart, $3  }
0xc2: {  	[dreg:$0x1] =	wrdreg $0xFFFFFFFF  }
0xc3: {  	_ =	task.clear_ibuf [dreg:s8], $0x2FFFF;
	_ =	strace $0x9FFFFFFF  }
0xc4: {  	(tm) =	ssettm $0x7FFFFFFF  }
0xc5: {  	_ =	shalt  }
tec
execute0_lowered:
.L_overlay_start_1:
0x0: {  	(tag) =	ssettag $0x1  }
0x1: {  	s0 =	rddreg [dreg:$0x0]  }
0x2: {  	s14 =	stileid.u32;
	s1 =	rddreg [dreg:$0x1]  }
0x3: {  	s2 =	srdreg.scid;
	s3 =	sshll.u32 s14, $0x1;
	s6 =	sshrl.u32 s14, $0x2  }
0x4: {  	s17 =	sand.u32 $0x1, s2;
	s2 =	rddreg [dreg:$0x2];
	s10 =	smul.u32 $0x186A0, s6  }
0x5: {  	s0 =	sadd.s32 $0x400, s0;
	s23 =	sand.u32 $0x3, s14;
	s16 =	smul.u32 $0xC3500, s6  }
0x6: {  	s3 =	sand.u32 $0x6, s3;
	s5 =	ssub.s32 $0x2, s17;
	s24 =	smul.u32 $0x61A8, s23  }
0x7: {  	s31 =	sshll.u32 s17, $0x2;
	s25 =	sadd.s32 $0x30000, s2;
	s26 =	smul.u32 $0x30D8, s17  }
0x8: {  	p1 =	sne.s32 s17, $0x0;
	s4 =	sor.u32 s17, s3;
	s3 =	simm.s32 $0x0  }
0x9: {  	s7 =	sshrl.u32 s5, $0x1;
	s17 =	simm.s32 $0x7;
	s4 =	smul.u32 $0x30D4, s4  }
0xa: {  	[smem:$0x7FF] =	sst s3;
	s13 =	ssub.s32 s5, s7;
	s7 =	sadd.s32 $0x3FEA, s14  }
0xb: {  	_ =	strace $0x80000047;
	[dreg:$0x8] =	wrdreg s7;
	s7 =	sadd.s32 s1, s16  }
0xc: {  	s16 =	sadd.s32 $0x30800, s2;
	s13 =	smax.u32 s13, $0x1;
	s11 =	sadd.s32 s10, s4  }
0xd: {  	s8 =	sadd.s32 s31, s11;
	s12 =	sshrl.u32 s11, $0x3;
	s28 =	sshll.u32 s11, $0x4  }
0xe: {  	s31 =	simm.s32 $0x7100;
	s18 =	sand.u32 $0x4, s8;
	s9 =	sshrl.u32 s8, $0x3  }
0xf: {  	s19 =	sshll.u32 s8, $0x7;
	s11 =	sadd.s32 s28, s25;
	[dreg:$0x7] =	wrdreg s31  }
0x10: {  	s15 =	sadd.s32 s0, s9;
	s0 =	sadd.s32 s0, s12;
	s12 =	sshll.u32 s8, $0x4  }
0x11: {  	s20 =	sand.u32 $0x200, s19;
	p0 =	seq.s32 s18, $0x0;
	s18 =	simm.s32 $0x4  }
0x12: {  	[dreg:$0x9] =	wrdreg s15;
	s6 =	sadd.s32 $0x61A, s0;
	s8 =	sand.u32 $0x1FFFF80, s12  }
0x13: {  	[dreg:$0x4] =	wrdreg s20;
	s15 =	sadd.s32 $0x800, s2;
	s9 =	sand.u32 $0x40, s12  }
0x14: {  	s0 =	sadd.s32 $0x17C000, s19;
	s21 =	sadd.s32 s2, s8;
	s22 =	sadd.s32 s8, s15  }
0x15: {  	s0 =	sshrl.u32 s0, $0x3;
	[dreg:$0x5] =	wrdreg s21;
	s1 =	sadd.s32 s9, s22  }
0x16: {  	s8 =	sadd.s32 s2, s0;
	s9 =	sadd.s32 s12, s25;
	s22 =	simm.s32 $0x3  }
0x17: {  	s25 =	simm.s32 $0x0;
	[dreg:$0x6] =	wrdreg s1;
	s1 =	sadd.s32 s24, s10  }
0x18: {  	s10 =	sadd.s32 s12, s16;
	s12 =	sadd.s32 s28, s16;
	s1 =	sadd.s32 s26, s1  }
0x19: {  	s24 =	simm.s32 $0x5;
	s29 =	sshll.u32 s1, $0x7;
	s30 =	sshll.u32 s1, $0x4  }
0x1a: {  	s14 =	sadd.s32 $0xFFFFC000, s29;
	s15 =	sadd.s32 s30, s15;
	s16 =	sadd.s32 s30, s2  }
.LBB2_1:
0x1b: {  	s0 =	sld [smem:$0x7FF];
	_ =	sdelay $0x2  }
0x1c: {  	p2 =	sne.s32 @!p0 s0, $0x1  }
0x1d: {  	s0 =	rddreg [dreg:$0x8];
	p2 =	por !p2, p0  }
0x1e: {  	s0 =	sor.u32 @!p2 $0x100000, s0  }
0x1f: {  	[smem:s0], [sflag:$0x0] =	smem.add.s32 @!p2 $0x6E;
	s0 =	simm.s32 @!p2 $0x0  }
0x20: {  	s1 =	simm.s32 @!p2 $0x1;
	_ =	swait.done @!p2 [sflag:s0]  }
0x21: {  	[smem:$0x7FF] =	sst @!p2 s1  }
0x22: {  	_ =	sint @!p2 $0x2  }
0x23: {  	_ =	swait.notdone @!p2 [sflag:s0]  }
0x24: {  	s0 =	rddreg [dreg:$0x9]  }
0x25: {  	[tilespmem:s3], [sflag:$0x7] =	stream.linear.gather [hbm4b:s0+s3], $0x30D0, $0x38;
	[tilespmem:$0xF100] =	vst v63  }
0x26: {  	_ =	swait.ge [sflag:s17], $0x30D0  }
0x27: {  	[sflag:s17] =	ssyncset.done $0x0  }
0x28: {  	s1 =	simm.s32 @!p1 $0x30D0;
	s0 =	simm.s32 @!p1 $0x0;
	[sflag:s17] =	ssyncadd.s32 $0xFFFFCF30  }
0x29: {  	[tilespmem:s1], [sflag:$0x7] =	stream.linear.gather @!p1 [hbm4b:s6+s0], $0x8, $0x38;
	[tilespmem:$0xF100] =	vst v63  }
0x2a: {  	s0 =	simm.s32 @!p1 $0x7  }
0x2b: {  	p6 =	por $0x0, $0x0;
	_ =	swait.ge @!p1 [sflag:s0], $0x8  }
0x2c: {  	p3 =	por p6, p6;
	[sflag:s0] =	ssyncset.done @!p1 $0x0  }
0x2d: {  	[sflag:s0] =	ssyncadd.s32 @!p1 $0xFFFFFFF8;
	s0 =	simm.s32 @p3 $0x4  }
0x2e: {  	_ =	swait.ge @p3 [sflag:s0], $0x4000  }
0x2f: {  	s26 =	simm.s32 @p3 $0x3;
	s28 =	simm.s32 @p3 $0x80;
	[sflag:s0] =	ssyncset.done @p3 $0x0  }
0x30: {  	s1 =	simm.s32 @p3 $0x3100;
	[sflag:s0] =	ssyncadd.s32 @p3 $0xFFFFC000;
	s0 =	simm.s32 @p3 $0x0  }
0x31: {  	[tilespmem:s1], [sflag:$0x1] =	stream.indirect.gather @p3 [hbm4b:s7+s28], $0x80, s0, s28, $0xb8;
	[tilespmem:$0xF100] =	vst v63  }
0x32: {  	_ =	swait.ge @p3 [sflag:s26], $0x4000  }
0x33: {  	s29 =	sand.u32 @p3 $0x7FFFFC00, s14;
	s0 =	rddreg [dreg:$0x4]  }
0x34: {  	s30 =	simm.s32 @p3 $0xB100;
	s0 =	sor.u32 @p3 s0, s29  }
0x35: {  	[sflag:s26] =	ssyncset.done @p3 $0x0;
	s29 =	simm.s32 @p3 $0x5;
	s0 =	sshrl.u32 @p3 s0, $0x3  }
0x36: {  	[sflag:s26] =	ssyncadd.s32 @p3 $0xFFFFC000;
	s26 =	simm.s32 @p3 $0x0;
	s0 =	sadd.s32 @p3 s2, s0  }
0x37: {  	[hbm4b:s0+s26] =	stream.linear.scatter @p3 [tilespmem:s30], [sflag:$0x6], $0x4000, $0x38;
	[tilespmem:$0xF100] =	vst v63  }
0x38: {  	_ =	swait.ge @p3 [sflag:s29], $0x4000  }
0x39: {  	s31 =	simm.s32 @p3 $0x1;
	[sflag:s29] =	ssyncset.done @p3 $0x0  }
0x3a: {  	s0 =	simm.s32 @p3 $0x80;
	[sflag:s29] =	ssyncadd.s32 @p3 $0xFFFFC000;
	s29 =	simm.s32 @p3 $0x7100  }
0x3b: {  	[tilespmem:s29], [sflag:$0x2] =	stream.indirect.gather @p3 [hbm4b:s7+s28], $0x80, s0, s28, $0xb8;
	[tilespmem:$0xF100] =	vst v63  }
0x3c: {  	_ =	swait.ge @p3 [sflag:s31], $0x4000  }
0x3d: {  	[sflag:s31] =	ssyncset.done @p3 $0x0  }
0x3e: {  	s0 =	simm.s32 @p3 $0x6;
	[sflag:s31] =	ssyncadd.s32 @p3 $0xFFFFC000  }
0x3f: {  	[hbm4b:s16+s26] =	stream.linear.scatter @p3 [tilespmem:s1], [sflag:$0x4], $0x4000, $0x38;
	[tilespmem:$0xF100] =	vst v63  }
0x40: {  	_ =	swait.ge @p3 [sflag:s0], $0x4000  }
0x41: {  	[sflag:s0] =	ssyncset.done @p3 $0x0  }
0x42: {  	s1 =	simm.s32 @p3 $0x100;
	[sflag:s0] =	ssyncadd.s32 @p3 $0xFFFFC000;
	s0 =	simm.s32 @p3 $0x2  }
0x43: {  	[tilespmem:s30], [sflag:$0x3] =	stream.indirect.gather @p3 [hbm4b:s7+s28], $0x80, s1, s28, $0xb8;
	[tilespmem:$0xF100] =	vst v63  }
0x44: {  	_ =	swait.ge @p3 [sflag:s0], $0x4000  }
0x45: {  	s26 =	simm.s32 @!p3 $0x0;
	[sflag:s0] =	ssyncset.done @p3 $0x0  }
0x46: {  	s1 =	simm.s32 @!p3 $0x3100;
	[sflag:s0] =	ssyncadd.s32 @p3 $0xFFFFC000;
	s0 =	simm.s32 @!p3 $0x80  }
0x47: {  	[tilespmem:s1], [sflag:$0x1] =	stream.indirect.gather @!p3 [hbm4b:s7+s0], $0x80, s26, s0, $0xb8;
	[tilespmem:$0xF100] =	vst v63  }
0x48: {  	s29 =	simm.s32 @!p3 $0x1;
	s28 =	simm.s32 @!p3 $0x7100  }
0x49: {  	[tilespmem:s28], [sflag:$0x2] =	stream.indirect.gather @!p3 [hbm4b:s7+s0], $0x80, s0, s0, $0xb8;
	[tilespmem:$0xF100] =	vst v63  }
0x4a: {  	_ =	swait.ge @!p3 [sflag:s29], $0x4000  }
0x4b: {  	[sflag:s29] =	ssyncset.done @!p3 $0x0  }
0x4c: {  	s28 =	rddreg [dreg:$0x5];
	[sflag:s29] =	ssyncadd.s32 @!p3 $0xFFFFC000  }
0x4d: {  	[hbm4b:s28+s26] =	stream.linear.scatter @!p3 [tilespmem:s1], [sflag:$0x4], $0x4000, $0x38;
	[tilespmem:$0xF100] =	vst v63  }
0x4e: {  	s1 =	simm.s32 @!p3 $0x100;
	s26 =	simm.s32 @!p3 $0xB100;
	s28 =	simm.s32 @!p3 $0x2  }
0x4f: {  	[tilespmem:s26], [sflag:$0x3] =	stream.indirect.gather @!p3 [hbm4b:s7+s0], $0x80, s1, s0, $0xb8;
	[tilespmem:$0xF100] =	vst v63  }
0x50: {  	p2 =	por $0x1, $0x1;
	s31 =	simm.s32 $0xC00;
	_ =	swait.ge @!p3 [sflag:s28], $0x4000  }
0x51: {  	s30 =	simm.s32 $0x600;
	s29 =	sadd.s32 $0xC000, s14;
	s1 =	rddreg [dreg:$0x6]  }
0x52: {  	s26 =	sadd.s32 $0x1800, s15;
	[sflag:s28] =	ssyncset.done @!p3 $0x0;
	s0 =	rddreg [dreg:$0x7]  }
0x53: {  	[sflag:s28] =	ssyncadd.s32 @!p3 $0xFFFFC000;
	s28 =	sadd.s32 $0x1800, s16;
	s1 =	smov.u32 @p3 s15  }
.LBB2_2:
0x54: {  	[hbm4b:s1+s3] =	stream.linear.scatter [tilespmem:s0], [sflag:$0x5], $0x4000, $0x38;
	[tilespmem:$0xF100] =	vst v63  }
0x55: {  	p3 =	por p2, p2  }
0x56: {  	s1 =	simm.s32 @p3 $0x4  }
0x57: {  	_ =	swait.ge @p3 [sflag:s1], $0x4000  }
0x58: {  	s19 =	simm.s32 @p3 $0x3100;
	s20 =	simm.s32 @p3 $0x3;
	[sflag:s1] =	ssyncset.done @p3 $0x0  }
0x59: {  	s21 =	simm.s32 @p3 $0x80;
	[sflag:s1] =	ssyncadd.s32 @p3 $0xFFFFC000;
	s1 =	sshra.s32 @p3 s30, $0x2  }
0x5a: {  	[tilespmem:s19], [sflag:$0x1] =	stream.indirect.gather @p3 [hbm4b:s7+s21], $0x80, s1, s21, $0xb8;
	[tilespmem:$0xF100] =	vst v63  }
0x5b: {  	s5 =	smov.u32 s31;
	_ =	swait.ge @p3 [sflag:s20], $0x4000  }
0x5c: {  	p2 =	sne.s32 s5, $0x0;
	s0 =	sand.u32 @p3 $0x7FFFFC00, s29;
	s4 =	rddreg [dreg:$0x4]  }
0x5d: {  	s30 =	smov.u32 s5;
	s5 =	simm.s32 @p3 $0xB100;
	s0 =	sor.u32 @p3 s4, s0  }
0x5e: {  	[sflag:s20] =	ssyncset.done @p3 $0x0;
	s4 =	simm.s32 @p3 $0x5;
	s0 =	sshrl.u32 @p3 s0, $0x3  }
0x5f: {  	[sflag:s20] =	ssyncadd.s32 @p3 $0xFFFFC000;
	s20 =	simm.s32 @p3 $0x0;
	s0 =	sadd.s32 @p3 s2, s0  }
0x60: {  	[hbm4b:s0+s20] =	stream.linear.scatter @p3 [tilespmem:s5], [sflag:$0x6], $0x4000, $0x38;
	[tilespmem:$0xF100] =	vst v63  }
0x61: {  	_ =	swait.ge @p3 [sflag:s4], $0x4000  }
0x62: {  	s23 =	sadd.s32 @p3 $0x80, s1;
	[sflag:s4] =	ssyncset.done @p3 $0x0  }
0x63: {  	s0 =	simm.s32 @p3 $0x7100;
	[sflag:s4] =	ssyncadd.s32 @p3 $0xFFFFC000;
	s4 =	simm.s32 @p3 $0x1  }
0x64: {  	[tilespmem:s0], [sflag:$0x2] =	stream.indirect.gather @p3 [hbm4b:s7+s21], $0x80, s23, s21, $0xb8;
	[tilespmem:$0xF100] =	vst v63  }
0x65: {  	_ =	swait.ge @p3 [sflag:s4], $0x4000  }
0x66: {  	[sflag:s4] =	ssyncset.done @p3 $0x0  }
0x67: {  	s0 =	simm.s32 @p3 $0x6;
	[sflag:s4] =	ssyncadd.s32 @p3 $0xFFFFC000  }
0x68: {  	[hbm4b:s28+s20] =	stream.linear.scatter @p3 [tilespmem:s19], [sflag:$0x4], $0x4000, $0x38;
	[tilespmem:$0xF100] =	vst v63  }
0x69: {  	_ =	swait.ge @p3 [sflag:s0], $0x4000  }
0x6a: {  	[sflag:s0] =	ssyncset.done @p3 $0x0  }
0x6b: {  	s1 =	sadd.s32 @p3 $0x100, s1;
	[sflag:s0] =	ssyncadd.s32 @p3 $0xFFFFC000;
	s0 =	simm.s32 @p3 $0x2  }
0x6c: {  	[tilespmem:s5], [sflag:$0x3] =	stream.indirect.gather @p3 [hbm4b:s7+s21], $0x80, s1, s21, $0xb8;
	[tilespmem:$0xF100] =	vst v63  }
0x6d: {  	_ =	swait.ge @p3 [sflag:s0], $0x4000  }
0x6e: {  	s4 =	simm.s32 @!p3 $0x0;
	[sflag:s0] =	ssyncset.done @p3 $0x0  }
0x6f: {  	s1 =	simm.s32 @!p3 $0x3100;
	[sflag:s0] =	ssyncadd.s32 @p3 $0xFFFFC000;
	s0 =	simm.s32 @!p3 $0x80  }
0x70: {  	[tilespmem:s1], [sflag:$0x1] =	stream.indirect.gather @!p3 [hbm4b:s7+s0], $0x80, s4, s0, $0xb8;
	[tilespmem:$0xF100] =	vst v63  }
0x71: {  	s19 =	simm.s32 @!p3 $0x1;
	s5 =	simm.s32 @!p3 $0x7100  }
0x72: {  	[tilespmem:s5], [sflag:$0x2] =	stream.indirect.gather @!p3 [hbm4b:s7+s0], $0x80, s0, s0, $0xb8;
	[tilespmem:$0xF100] =	vst v63  }
0x73: {  	_ =	swait.ge @!p3 [sflag:s19], $0x4000  }
0x74: {  	[sflag:s19] =	ssyncset.done @!p3 $0x0  }
0x75: {  	s31 =	sadd.s32 $0x600, s31;
	s5 =	rddreg [dreg:$0x5];
	[sflag:s19] =	ssyncadd.s32 @!p3 $0xFFFFC000  }
0x76: {  	[hbm4b:s5+s4] =	stream.linear.scatter @!p3 [tilespmem:s1], [sflag:$0x4], $0x4000, $0x38;
	[tilespmem:$0xF100] =	vst v63  }
0x77: {  	p4 =	sne.s32 s31, $0xC000;
	s1 =	simm.s32 @!p3 $0x100;
	s4 =	simm.s32 @!p3 $0xB100  }
0x78: {  	[tilespmem:s4], [sflag:$0x3] =	stream.indirect.gather @!p3 [hbm4b:s7+s0], $0x80, s1, s0, $0xb8;
	[tilespmem:$0xF100] =	vst v63  }
.Ltmp0:
0x79: {  	s5 =	simm.s32 @!p3 $0x2;
	(pc) =	sbr.rel @p4 .LBB2_2-.Ltmp0, $4  }
0x7a: {  	_ =	swait.ge @!p3 [sflag:s5], $0x4000  }
0x7b: {  	s29 =	sadd.s32 $0xC000, s29;
	s1 =	rddreg [dreg:$0x6]  }
0x7c: {  	s28 =	sadd.s32 $0x1800, s28;
	[sflag:s5] =	ssyncset.done @!p3 $0x0;
	s0 =	rddreg [dreg:$0x7]  }
0x7d: {  	[sflag:s5] =	ssyncadd.s32 @!p3 $0xFFFFC000;
	s1 =	smov.u32 @p3 s26;
	s26 =	sadd.s32 $0x1800, s26  }
0x7e: {  	[hbm4b:s1+s3] =	stream.linear.scatter [tilespmem:s0], [sflag:$0x5], $0x4000, $0x38;
	[tilespmem:$0xF100] =	vst v63  }
0x7f: {  	p2 =	por p2, p2  }
0x80: {  	s0 =	simm.s32 @p2 $0x4  }
0x81: {  	_ =	swait.ge @p2 [sflag:s0], $0x4000  }
0x82: {  	s1 =	simm.s32 @p2 $0x3100;
	s4 =	simm.s32 @p2 $0x3;
	[sflag:s0] =	ssyncset.done @p2 $0x0  }
0x83: {  	s5 =	simm.s32 @p2 $0x80;
	[sflag:s0] =	ssyncadd.s32 @p2 $0xFFFFC000;
	s0 =	sshra.s32 @p2 s30, $0x2  }
0x84: {  	[tilespmem:s1], [sflag:$0x1] =	stream.indirect.gather @p2 [hbm4b:s7+s5], $0x80, s0, s5, $0xb8;
	[tilespmem:$0xF100] =	vst v63  }
0x85: {  	_ =	swait.ge @p2 [sflag:s4], $0x4000  }
0x86: {  	s20 =	sand.u32 @p2 $0x7FFFFC00, s29;
	s19 =	rddreg [dreg:$0x4]  }
0x87: {  	s21 =	simm.s32 @p2 $0xB100;
	s19 =	sor.u32 @p2 s19, s20  }
0x88: {  	[sflag:s4] =	ssyncset.done @p2 $0x0;
	s20 =	simm.s32 @p2 $0x5;
	s19 =	sshrl.u32 @p2 s19, $0x3  }
0x89: {  	[sflag:s4] =	ssyncadd.s32 @p2 $0xFFFFC000;
	s4 =	sadd.s32 @p2 s2, s19;
	s19 =	simm.s32 @p2 $0x0  }
0x8a: {  	[hbm4b:s4+s19] =	stream.linear.scatter @p2 [tilespmem:s21], [sflag:$0x6], $0x4000, $0x38;
	[tilespmem:$0xF100] =	vst v63  }
0x8b: {  	_ =	swait.ge @p2 [sflag:s20], $0x4000  }
0x8c: {  	[sflag:s20] =	ssyncset.done @p2 $0x0  }
0x8d: {  	s4 =	sadd.s32 @p2 $0x80, s0;
	[sflag:s20] =	ssyncadd.s32 @p2 $0xFFFFC000;
	s20 =	simm.s32 @p2 $0x7100  }
0x8e: {  	[tilespmem:s20], [sflag:$0x2] =	stream.indirect.gather @p2 [hbm4b:s7+s5], $0x80, s4, s5, $0xb8;
	[tilespmem:$0xF100] =	vst v63  }
0x8f: {  	s4 =	simm.s32 @p2 $0x1  }
0x90: {  	_ =	swait.ge @p2 [sflag:s4], $0x4000  }
0x91: {  	[sflag:s4] =	ssyncset.done @p2 $0x0  }
0x92: {  	[sflag:s4] =	ssyncadd.s32 @p2 $0xFFFFC000  }
0x93: {  	[hbm4b:s28+s19] =	stream.linear.scatter @p2 [tilespmem:s1], [sflag:$0x4], $0x4000, $0x38;
	[tilespmem:$0xF100] =	vst v63  }
0x94: {  	s1 =	simm.s32 @p2 $0x6  }
0x95: {  	_ =	swait.ge @p2 [sflag:s1], $0x4000  }
0x96: {  	[sflag:s1] =	ssyncset.done @p2 $0x0  }
0x97: {  	s0 =	sadd.s32 @p2 $0x100, s0;
	[sflag:s1] =	ssyncadd.s32 @p2 $0xFFFFC000;
	s1 =	simm.s32 @p2 $0x2  }
0x98: {  	[tilespmem:s21], [sflag:$0x3] =	stream.indirect.gather @p2 [hbm4b:s7+s5], $0x80, s0, s5, $0xb8;
	[tilespmem:$0xF100] =	vst v63  }
0x99: {  	_ =	swait.ge @p2 [sflag:s1], $0x4000  }
0x9a: {  	s4 =	simm.s32 @!p2 $0x0;
	[sflag:s1] =	ssyncset.done @p2 $0x0  }
0x9b: {  	s0 =	simm.s32 @!p2 $0x3100;
	[sflag:s1] =	ssyncadd.s32 @p2 $0xFFFFC000;
	s1 =	simm.s32 @!p2 $0x80  }
0x9c: {  	[tilespmem:s0], [sflag:$0x1] =	stream.indirect.gather @!p2 [hbm4b:s7+s1], $0x80, s4, s1, $0xb8;
	[tilespmem:$0xF100] =	vst v63  }
0x9d: {  	s19 =	simm.s32 @!p2 $0x1;
	s5 =	simm.s32 @!p2 $0x7100  }
0x9e: {  	[tilespmem:s5], [sflag:$0x2] =	stream.indirect.gather @!p2 [hbm4b:s7+s1], $0x80, s1, s1, $0xb8;
	[tilespmem:$0xF100] =	vst v63  }
0x9f: {  	_ =	swait.ge @!p2 [sflag:s19], $0x4000  }
0xa0: {  	[sflag:s19] =	ssyncset.done @!p2 $0x0  }
0xa1: {  	s5 =	rddreg [dreg:$0x5];
	[sflag:s19] =	ssyncadd.s32 @!p2 $0xFFFFC000  }
0xa2: {  	[hbm4b:s5+s4] =	stream.linear.scatter @!p2 [tilespmem:s0], [sflag:$0x4], $0x4000, $0x38;
	[tilespmem:$0xF100] =	vst v63  }
0xa3: {  	s0 =	simm.s32 @!p2 $0x100;
	s4 =	simm.s32 @!p2 $0xB100  }
0xa4: {  	[tilespmem:s4], [sflag:$0x3] =	stream.indirect.gather @!p2 [hbm4b:s7+s1], $0x80, s0, s1, $0xb8;
	[tilespmem:$0xF100] =	vst v63  }
0xa5: {  	s0 =	simm.s32 @!p2 $0x2  }
0xa6: {  	_ =	swait.ge @!p2 [sflag:s0], $0x4000  }
0xa7: {  	s1 =	rddreg [dreg:$0x6];
	[sflag:s0] =	ssyncset.done @!p2 $0x0  }
0xa8: {  	s23 =	rddreg [dreg:$0x7];
	[sflag:s0] =	ssyncadd.s32 @!p2 $0xFFFFC000;
	s1 =	smov.u32 @p2 s26  }
0xa9: {  	[hbm4b:s1+s3] =	stream.linear.scatter [tilespmem:s23], [sflag:$0x5], $0x4000, $0x38;
	[tilespmem:$0xF100] =	vst v63  }
0xaa: {  	_ =	swait.ge [sflag:s18], $0x4000  }
0xab: {  	s29 =	simm.s32 $0x3000;
	[sflag:s18] =	ssyncset.done $0x0  }
0xac: {  	s30 =	simm.s32 $0x3100;
	s28 =	simm.s32 $0x80;
	[sflag:s18] =	ssyncadd.s32 $0xFFFFC000  }
0xad: {  	[tilespmem:s30], [sflag:$0x1] =	stream.indirect.gather [hbm4b:s7+s28], $0x80, s29, s28, $0xb8;
	[tilespmem:$0xF100] =	vst v63  }
0xae: {  	_ =	swait.ge [sflag:s22], $0x4000  }
0xaf: {  	[sflag:s22] =	ssyncset.done $0x0  }
0xb0: {  	s31 =	simm.s32 $0xB100;
	[sflag:s22] =	ssyncadd.s32 $0xFFFFC000  }
0xb1: {  	[hbm4b:s8+s3] =	stream.linear.scatter [tilespmem:s31], [sflag:$0x6], $0x4000, $0x38;
	[tilespmem:$0xF100] =	vst v63  }
0xb2: {  	_ =	swait.ge [sflag:s24], $0x4000  }
0xb3: {  	s4 =	simm.s32 @p1 $0x7100;
	[sflag:s24] =	ssyncset.done $0x0  }
0xb4: {  	s0 =	simm.s32 @p1 $0x50;
	s1 =	simm.s32 @p1 $0x3080;
	[sflag:s24] =	ssyncadd.s32 $0xFFFFC000  }
0xb5: {  	[tilespmem:s4], [sflag:$0x2] =	stream.indirect.gather @p1 [hbm4b:s7+s0], $0x80, s1, s0, $0xb8;
	[tilespmem:$0xF100] =	vst v63  }
0xb6: {  	s0 =	simm.s32 @p1 $0x1  }
0xb7: {  	_ =	swait.ge @p1 [sflag:s0], $0x4000  }
0xb8: {  	[sflag:s0] =	ssyncset.done @p1 $0x0  }
0xb9: {  	s1 =	simm.s32 @p1 $0x3100;
	[sflag:s0] =	ssyncadd.s32 @p1 $0xFFFFC000;
	s0 =	simm.s32 @p1 $0x0  }
0xba: {  	[hbm4b:s9+s0] =	stream.linear.scatter @p1 [tilespmem:s1], [sflag:$0x4], $0x4000, $0x38;
	[tilespmem:$0xF100] =	vst v63  }
0xbb: {  	s1 =	simm.s32 @p1 $0x2  }
0xbc: {  	_ =	swait.ge @p1 [sflag:s1], $0x2800  }
0xbd: {  	[sflag:s1] =	ssyncset.done @p1 $0x0  }
0xbe: {  	[sflag:s1] =	ssyncadd.s32 @p1 $0xFFFFD800  }
0xbf: {  	[hbm4b:s10+s0] =	stream.linear.scatter @p1 [tilespmem:s4], [sflag:$0x5], $0x2800, $0x38;
	[tilespmem:$0xF100] =	vst v63  }
0xc0: {  	s0 =	simm.s32 @p1 $0x6  }
0xc1: {  	_ =	swait.ge @p1 [sflag:s0], $0x4000  }
0xc2: {  	[sflag:s0] =	ssyncset.done @p1 $0x0  }
0xc3: {  	[sflag:s0] =	ssyncadd.s32 @p1 $0xFFFFC000;
	s0 =	simm.s32 @p1 $0x4  }
0xc4: {  	_ =	swait.ge @p1 [sflag:s0], $0x4000  }
0xc5: {  	[sflag:s0] =	ssyncset.done @p1 $0x0  }
0xc6: {  	[sflag:s0] =	ssyncadd.s32 @p1 $0xFFFFC000;
	s0 =	simm.s32 @p1 $0x5  }
0xc7: {  	_ =	swait.ge @p1 [sflag:s0], $0x2800  }
0xc8: {  	s1 =	simm.s32 @!p1 $0x3080;
	[sflag:s0] =	ssyncset.done @p1 $0x0  }
0xc9: {  	s4 =	simm.s32 @!p1 $0x7100;
	[sflag:s0] =	ssyncadd.s32 @p1 $0xFFFFD800;
	s0 =	simm.s32 @!p1 $0x58  }
0xca: {  	[tilespmem:s4], [sflag:$0x2] =	stream.indirect.gather @!p1 [hbm4b:s7+s0], $0x80, s1, s0, $0xb8;
	[tilespmem:$0xF100] =	vst v63  }
0xcb: {  	s0 =	simm.s32 @!p1 $0x1  }
0xcc: {  	_ =	swait.ge @!p1 [sflag:s0], $0x4000  }
0xcd: {  	[sflag:s0] =	ssyncset.done @!p1 $0x0  }
0xce: {  	s1 =	simm.s32 @!p1 $0x3100;
	[sflag:s0] =	ssyncadd.s32 @!p1 $0xFFFFC000;
	s0 =	simm.s32 @!p1 $0x0  }
0xcf: {  	[hbm4b:s11+s0] =	stream.linear.scatter @!p1 [tilespmem:s1], [sflag:$0x4], $0x4000, $0x38;
	[tilespmem:$0xF100] =	vst v63  }
0xd0: {  	s1 =	simm.s32 @!p1 $0x2  }
0xd1: {  	_ =	swait.ge @!p1 [sflag:s1], $0x2C00  }
0xd2: {  	[sflag:s1] =	ssyncset.done @!p1 $0x0  }
0xd3: {  	[sflag:s1] =	ssyncadd.s32 @!p1 $0xFFFFD400  }
0xd4: {  	[hbm4b:s12+s0] =	stream.linear.scatter @!p1 [tilespmem:s4], [sflag:$0x5], $0x2C00, $0x38;
	[tilespmem:$0xF100] =	vst v63  }
0xd5: {  	s0 =	simm.s32 @!p1 $0x6  }
0xd6: {  	_ =	swait.ge @!p1 [sflag:s0], $0x4000  }
0xd7: {  	[sflag:s0] =	ssyncset.done @!p1 $0x0  }
0xd8: {  	s25 =	sadd.s32 $0x1, s25;
	[sflag:s0] =	ssyncadd.s32 @!p1 $0xFFFFC000;
	s0 =	simm.s32 @!p1 $0x4  }
0xd9: {  	p2 =	sne.s32 s25, s13;
	_ =	swait.ge @!p1 [sflag:s0], $0x4000  }
.Ltmp1:
0xda: {  	[sflag:s0] =	ssyncset.done @!p1 $0x0;
	(pc) =	sbr.rel @p2 .LBB2_1-.Ltmp1, $4  }
0xdb: {  	[sflag:s0] =	ssyncadd.s32 @!p1 $0xFFFFC000;
	s0 =	simm.s32 @!p1 $0x5  }
0xdc: {  	_ =	swait.ge @!p1 [sflag:s0], $0x2C00  }
0xdd: {  	[sflag:s0] =	ssyncset.done @!p1 $0x0  }
0xde: {  	[sflag:s0] =	ssyncadd.s32 @!p1 $0xFFFFD400  }
0xdf: {  	_ =	sfence.sel $0x180000  }
0xe0: {  	[bflag:$0x0] =	sbarrier.arrive $0xFFFF  }
0xe1: {  	_ =	strace $0x90000047  }
0xe2: {  	s0 =	stileid.u32;
	[bflag:$0x2] =	sbarrier.arrive $0xFFFF  }
0xe3: {  	p0 =	sne.s32 s0, $0x0;
	s0 =	rddreg [dreg:$0x3]  }
0xe4: {  	s0 =	sadd.s32 @!p0 $0x100000, s0  }
0xe5: {  	[sflag:s0] =	ssyncadd.tile.s32 @!p0 $0x1;
	_ =	shalt  }
.Lfunc_end2:
_tile_overlayer_lowered:
.L_overlay_start_2:
0xe6: {  	(tag) =	ssettag $0x2  }
0xe7: {  	s0 =	rddreg [dreg:$0x0];
	s2 =	stileid.u32  }
0xe8: {  	s1 =	rddreg [dreg:$0x1];
	p0 =	sne.s32 s2, $0x0  }
0xe9: {  	s3 =	rddreg [dreg:$0x2];
	[bflag:$0x3] =	sbarrier.arrive $0xFFFF;
	s2 =	simm.s32 @!p0 $0x1C07  }
0xea: {  	[timem:s3], [sflag:s2] =	dma.local @!p0 [hbm:s0], s1  }
0xeb: {  	s0 =	simm.s32 @!p0 $0x7  }
0xec: {  	_ =	swait.ge @!p0 [sflag:s0], s1  }
0xed: {  	s1 =	ssub.s32 @!p0 $0x0, s1;
	[sflag:s0] =	ssyncset.done @!p0 $0x0  }
0xee: {  	[sflag:s0] =	ssyncadd.s32 @!p0 s1  }
0xef: {  	[bflag:$0x3] =	sbarrier.arrive $0xFFFF  }
0xf0: {  	_ =	shalt  }

</sc_bundles>
